<compile_context>
chip_gen: v7x
topology: tpu7x:2x2x1
jax: 0.10.2.dev20260603
libtpu: 0.0.44.dev20260713+nightly
codegen_flags: <defaults>
</compile_context>

<pallas_src>
import functools

import jax
import jax.numpy as jnp
from jax import lax
from jax.experimental import pallas as pl
from jax.experimental.pallas import tpu as pltpu
from jax.experimental.pallas import tpu_sc as plsc

HIDDEN = 128
BATCH = 4
SEQ = 2048

NC, NS, L = 2, 16, 16
NW = NC * NS
N = BATCH * SEQ
PPW = SEQ // NW
RPW = BATCH * PPW


@functools.partial(
    pl.kernel,
    out_type=jax.ShapeDtypeStruct((N, HIDDEN), jnp.float32),
    mesh=plsc.VectorSubcoreMesh(core_axis_name="c", subcore_axis_name="s"),
    scratch_types=[
        pltpu.VMEM((RPW,), jnp.int32),
        pltpu.VMEM((RPW, HIDDEN), jnp.float32),
        pltpu.VMEM_SHARED((NS, PPW, HIDDEN), jnp.float32),
        pltpu.SemaphoreType.DMA,
        [pltpu.SemaphoreType.DMA] * BATCH,
        [pltpu.SemaphoreType.DMA] * BATCH,
        pltpu.SemaphoreType.DMA,
    ],
)
def _embed_sum(ids_hbm, wtab_hbm, ptab_hbm, out_hbm, idx_v, rows_v, pos_sh,
               sem_i, sem_r, sem_g, sem_out):
    sid = lax.axis_index("s")
    wid = sid * NC + lax.axis_index("c")
    pbase = wid * PPW

    idx_copies = []
    for b in range(BATCH):
        idx_copies.append(
            pltpu.async_copy(
                ids_hbm.at[pl.ds(b * SEQ + pbase, PPW)],
                idx_v.at[pl.ds(b * PPW, PPW)],
                sem_i,
            )
        )

    pltpu.sync_copy(ptab_hbm.at[pl.ds(pbase, PPW)], pos_sh.at[sid])
    reps = []
    for b in range(BATCH):
        reps.append(
            pltpu.async_copy(
                pos_sh.at[sid],
                rows_v.at[pl.ds(b * PPW, PPW), :],
                sem_r[b],
            )
        )

    for c in idx_copies:
        c.wait()

    gathers = []
    for b in range(BATCH):
        sl = pl.ds(b * PPW, PPW)
        reps[b].wait()
        gathers.append(
            pltpu.async_copy(
                wtab_hbm.at[idx_v.at[sl]],
                rows_v.at[sl, :],
                sem_g[b],
                add=True,
            )
        )

    outs = []
    for b in range(BATCH):
        sl = pl.ds(b * PPW, PPW)
        gathers[b].wait()
        outs.append(
            pltpu.async_copy(
                rows_v.at[sl, :],
                out_hbm.at[pl.ds(b * SEQ + pbase, PPW)],
                sem_out,
            )
        )
    for o in outs:
        o.wait()


def kernel(input_ids, word_embeddings, position_embeddings):
    ids = input_ids.astype(jnp.int32).reshape(-1)
    out = _embed_sum(ids, word_embeddings, position_embeddings)
    return out.reshape(BATCH, SEQ, HIDDEN)

# --- scband reference (transcript-rebuilt; emitter-appended) ---
"""Pipeline reference for scband-co-nnembeddings-42305427865778 (READ-ONLY COPY).

The authoritative reference and input builder live on the scoring server;
editing this copy changes nothing except your own understanding.
"""

import jax, jax.numpy as jnp
import numpy as np

VOCAB = 100000
HIDDEN = 128
MAX_POS = 2048
BATCH = 4
SEQ = 2048

def setup_inputs(seed: int = 0) -> dict:
    key = jax.random.key(seed)
    k1, k2, k3 = jax.random.split(key, 3)
    input_ids = jax.random.randint(k1, (BATCH, SEQ), 0, VOCAB, dtype=jnp.int64 if jax.config.jax_enable_x64 else jnp.int32)
    word_embeddings = jax.random.normal(k2, (VOCAB, HIDDEN), dtype=jnp.float32) * 0.02
    position_embeddings = jax.random.normal(k3, (MAX_POS, HIDDEN), dtype=jnp.float32) * 0.02
    return {"input_ids": input_ids, "word_embeddings": word_embeddings, "position_embeddings": position_embeddings}

def reference(input_ids, word_embeddings, position_embeddings):
    # word embedding lookup: gather rows
    emb = jnp.take(word_embeddings, input_ids, axis=0)  # [B, S, H]
    # position embedding lookup for positions 0..S-1
    pos_ids = jnp.arange(input_ids.shape[1])
    pos_emb = jnp.take(position_embeddings, pos_ids, axis=0)  # [S, H]
    emb = emb + pos_emb[None, :, :]
    # dropout with p=0.0 is identity (eval-mode faithful)
    return emb

if __name__ == "__main__":
    import jax
    _d = setup_inputs()
    print(jax.jit(kernel)(*tuple(_d.values())))

</pallas_src>

<mosaic_0001>
#map = affine_map<(d0, d1) -> (0)>
#map1 = affine_map<(d0, d1) -> (0, 0)>
module attributes {stable_mosaic.version = 14 : i64} {
  func.func @_embed_sum(%arg0: i32, %arg1: i32, %arg2: memref<8192xi32, #tpu.memory_space<hbm>>, %arg3: memref<100000x128xf32, #tpu.memory_space<hbm>>, %arg4: memref<2048x128xf32, #tpu.memory_space<hbm>>, %arg5: memref<8192x128xf32, #tpu.memory_space<hbm>>, %arg6: memref<256xi32, #tpu.memory_space<vmem>>, %arg7: memref<256x128xf32, #tpu.memory_space<vmem>>, %arg8: memref<16x64x128xf32, #tpu.memory_space<vmem_shared>>, %arg9: memref<!tpu.dma_semaphore, #tpu.memory_space<semaphore_mem>>, %arg10: memref<!tpu.dma_semaphore, #tpu.memory_space<semaphore_mem>>, %arg11: memref<!tpu.dma_semaphore, #tpu.memory_space<semaphore_mem>>, %arg12: memref<!tpu.dma_semaphore, #tpu.memory_space<semaphore_mem>>, %arg13: memref<!tpu.dma_semaphore, #tpu.memory_space<semaphore_mem>>, %arg14: memref<!tpu.dma_semaphore, #tpu.memory_space<semaphore_mem>>, %arg15: memref<!tpu.dma_semaphore, #tpu.memory_space<semaphore_mem>>, %arg16: memref<!tpu.dma_semaphore, #tpu.memory_space<semaphore_mem>>, %arg17: memref<!tpu.dma_semaphore, #tpu.memory_space<semaphore_mem>>, %arg18: memref<!tpu.dma_semaphore, #tpu.memory_space<semaphore_mem>>) attributes {dimension_semantics = [#tpu.dimension_semantics<core_parallel>, #tpu.dimension_semantics<subcore_parallel>], iteration_bounds = array<i64: 2, 16>, scalar_prefetch = 0 : i64, scratch_operands = 13 : i64, tpu.core_type = #tpu.core_type<sc_vector_subcore>, window_params = [{transform_indices = #map}, {transform_indices = #map1}, {transform_indices = #map1}, {transform_indices = #map1}]} {
    %mul3A = arith.constant 2 : i32
    %mul3A_0 = arith.muli %arg1, %mul3A : i32
    %add3A = arith.addi %mul3A_0, %arg0 : i32
    %mul3A_1 = arith.constant 64 : i32
    %mul3A_2 = arith.muli %add3A, %mul3A_1 : i32
    %add3A_3 = arith.constant 0 : i32
    %add3A_4 = arith.addi %add3A_3, %mul3A_2 : i32
    %dma_start3A = arith.constant 0 : i32
    %dma_start3A_5 = tpu.memref_slice %arg6[%dma_start3A] : memref<256xi32, #tpu.memory_space<vmem>> -> memref<64xi32, #tpu.memory_space<vmem>>
    %dma_start3A_6 = tpu.memref_slice %arg2[%add3A_4] : memref<8192xi32, #tpu.memory_space<hbm>> -> memref<64xi32, #tpu.memory_space<hbm>>
    %dma_start3A_7 = arith.constant 0 : i32
    %dma_start3A_8 = tpu.memref_slice %arg6[%dma_start3A_7] : memref<256xi32, #tpu.memory_space<vmem>> -> memref<64xi32, #tpu.memory_space<vmem>>
    %dma_start3A_9 = tpu.memref_slice %arg2[%add3A_4] : memref<8192xi32, #tpu.memory_space<hbm>> -> memref<64xi32, #tpu.memory_space<hbm>>
    tpu.enqueue_dma source(%dma_start3A_9 : memref<64xi32, #tpu.memory_space<hbm>>) target(%dma_start3A_8 : memref<64xi32, #tpu.memory_space<vmem>>) target_semaphore(%arg9 : memref<!tpu.dma_semaphore, #tpu.memory_space<semaphore_mem>>)
    %add3A_10 = arith.constant 2048 : i32
    %add3A_11 = arith.addi %add3A_10, %mul3A_2 : i32
    %dma_start3A_12 = arith.constant 64 : i32
    %dma_start3A_13 = tpu.memref_slice %arg6[%dma_start3A_12] : memref<256xi32, #tpu.memory_space<vmem>> -> memref<64xi32, #tpu.memory_space<vmem>>
    %dma_start3A_14 = tpu.memref_slice %arg2[%add3A_11] : memref<8192xi32, #tpu.memory_space<hbm>> -> memref<64xi32, #tpu.memory_space<hbm>>
    %dma_start3A_15 = arith.constant 64 : i32
    %dma_start3A_16 = tpu.memref_slice %arg6[%dma_start3A_15] : memref<256xi32, #tpu.memory_space<vmem>> -> memref<64xi32, #tpu.memory_space<vmem>>
    %dma_start3A_17 = tpu.memref_slice %arg2[%add3A_11] : memref<8192xi32, #tpu.memory_space<hbm>> -> memref<64xi32, #tpu.memory_space<hbm>>
    tpu.enqueue_dma source(%dma_start3A_17 : memref<64xi32, #tpu.memory_space<hbm>>) target(%dma_start3A_16 : memref<64xi32, #tpu.memory_space<vmem>>) target_semaphore(%arg9 : memref<!tpu.dma_semaphore, #tpu.memory_space<semaphore_mem>>)
    %add3A_18 = arith.constant 4096 : i32
    %add3A_19 = arith.addi %add3A_18, %mul3A_2 : i32
    %dma_start3A_20 = arith.constant 128 : i32
    %dma_start3A_21 = tpu.memref_slice %arg6[%dma_start3A_20] : memref<256xi32, #tpu.memory_space<vmem>> -> memref<64xi32, #tpu.memory_space<vmem>>
    %dma_start3A_22 = tpu.memref_slice %arg2[%add3A_19] : memref<8192xi32, #tpu.memory_space<hbm>> -> memref<64xi32, #tpu.memory_space<hbm>>
    %dma_start3A_23 = arith.constant 128 : i32
    %dma_start3A_24 = tpu.memref_slice %arg6[%dma_start3A_23] : memref<256xi32, #tpu.memory_space<vmem>> -> memref<64xi32, #tpu.memory_space<vmem>>
    %dma_start3A_25 = tpu.memref_slice %arg2[%add3A_19] : memref<8192xi32, #tpu.memory_space<hbm>> -> memref<64xi32, #tpu.memory_space<hbm>>
    tpu.enqueue_dma source(%dma_start3A_25 : memref<64xi32, #tpu.memory_space<hbm>>) target(%dma_start3A_24 : memref<64xi32, #tpu.memory_space<vmem>>) target_semaphore(%arg9 : memref<!tpu.dma_semaphore, #tpu.memory_space<semaphore_mem>>)
    %add3A_26 = arith.constant 6144 : i32
    %add3A_27 = arith.addi %add3A_26, %mul3A_2 : i32
    %dma_start3A_28 = arith.constant 192 : i32
    %dma_start3A_29 = tpu.memref_slice %arg6[%dma_start3A_28] : memref<256xi32, #tpu.memory_space<vmem>> -> memref<64xi32, #tpu.memory_space<vmem>>
    %dma_start3A_30 = tpu.memref_slice %arg2[%add3A_27] : memref<8192xi32, #tpu.memory_space<hbm>> -> memref<64xi32, #tpu.memory_space<hbm>>
    %dma_start3A_31 = arith.constant 192 : i32
    %dma_start3A_32 = tpu.memref_slice %arg6[%dma_start3A_31] : memref<256xi32, #tpu.memory_space<vmem>> -> memref<64xi32, #tpu.memory_space<vmem>>
    %dma_start3A_33 = tpu.memref_slice %arg2[%add3A_27] : memref<8192xi32, #tpu.memory_space<hbm>> -> memref<64xi32, #tpu.memory_space<hbm>>
    tpu.enqueue_dma source(%dma_start3A_33 : memref<64xi32, #tpu.memory_space<hbm>>) target(%dma_start3A_32 : memref<64xi32, #tpu.memory_space<vmem>>) target_semaphore(%arg9 : memref<!tpu.dma_semaphore, #tpu.memory_space<semaphore_mem>>)
    "tpu.region"() ({
      %run_scoped3A = tpu.sem_alloc : memref<!tpu.dma_semaphore, #tpu.memory_space<semaphore_mem>>
      %dma_start3A_321 = arith.constant 0 : i32
      %dma_start3A_322 = arith.constant 0 : i32
      %dma_start3A_323 = tpu.memref_slice %arg8[%arg1, %dma_start3A_321, %dma_start3A_322] : memref<16x64x128xf32, #tpu.memory_space<vmem_shared>> -> memref<1x64x128xf32, #tpu.memory_space<vmem_shared>>
      %dma_start3A_324 = tpu.memref_squeeze %dma_start3A_323 : memref<1x64x128xf32, #tpu.memory_space<vmem_shared>> -> memref<64x128xf32, #tpu.memory_space<vmem_shared>>
      %dma_start3A_325 = arith.constant 0 : i32
      %dma_start3A_326 = tpu.memref_slice %arg4[%mul3A_2, %dma_start3A_325] : memref<2048x128xf32, #tpu.memory_space<hbm>> -> memref<64x128xf32, #tpu.memory_space<hbm>>
      tpu.enqueue_dma source(%dma_start3A_326 : memref<64x128xf32, #tpu.memory_space<hbm>>) target(%dma_start3A_324 : memref<64x128xf32, #tpu.memory_space<vmem_shared>>) target_semaphore(%run_scoped3A : memref<!tpu.dma_semaphore, #tpu.memory_space<semaphore_mem>>)
      %dma_wait3A_327 = arith.constant 0 : i32
      %dma_wait3A_328 = arith.constant 0 : i32
      %dma_wait3A_329 = tpu.memref_slice %arg8[%arg1, %dma_wait3A_327, %dma_wait3A_328] : memref<16x64x128xf32, #tpu.memory_space<vmem_shared>> -> memref<1x64x128xf32, #tpu.memory_space<vmem_shared>>
      %dma_wait3A_330 = tpu.memref_squeeze %dma_wait3A_329 : memref<1x64x128xf32, #tpu.memory_space<vmem_shared>> -> memref<64x128xf32, #tpu.memory_space<vmem_shared>>
      %dma_wait3A_331 = arith.constant 0 : i32
      %dma_wait3A_332 = tpu.memref_slice %arg4[%mul3A_2, %dma_wait3A_331] : memref<2048x128xf32, #tpu.memory_space<hbm>> -> memref<64x128xf32, #tpu.memory_space<hbm>>
      tpu.wait_dma2 semaphore(%run_scoped3A : memref<!tpu.dma_semaphore, #tpu.memory_space<semaphore_mem>>) src(%dma_wait3A_332 : memref<64x128xf32, #tpu.memory_space<hbm>>) dst(%dma_wait3A_330 : memref<64x128xf32, #tpu.memory_space<vmem_shared>>)
      tpu.yield
    }) : () -> ()
    %dma_start3A_34 = arith.constant 0 : i32
    %dma_start3A_35 = arith.constant 0 : i32
    %dma_start3A_36 = tpu.memref_slice %arg7[%dma_start3A_34, %dma_start3A_35] : memref<256x128xf32, #tpu.memory_space<vmem>> -> memref<64x128xf32, #tpu.memory_space<vmem>>
    %dma_start3A_37 = arith.constant 0 : i32
    %dma_start3A_38 = arith.constant 0 : i32
    %dma_start3A_39 = tpu.memref_slice %arg8[%arg1, %dma_start3A_37, %dma_start3A_38] : memref<16x64x128xf32, #tpu.memory_space<vmem_shared>> -> memref<1x64x128xf32, #tpu.memory_space<vmem_shared>>
    %dma_start3A_40 = tpu.memref_squeeze %dma_start3A_39 : memref<1x64x128xf32, #tpu.memory_space<vmem_shared>> -> memref<64x128xf32, #tpu.memory_space<vmem_shared>>
    %dma_start3A_41 = arith.constant 0 : i32
    %dma_start3A_42 = arith.constant 0 : i32
    %dma_start3A_43 = tpu.memref_slice %arg7[%dma_start3A_41, %dma_start3A_42] : memref<256x128xf32, #tpu.memory_space<vmem>> -> memref<64x128xf32, #tpu.memory_space<vmem>>
    %dma_start3A_44 = arith.constant 0 : i32
    %dma_start3A_45 = arith.constant 0 : i32
    %dma_start3A_46 = tpu.memref_slice %arg8[%arg1, %dma_start3A_44, %dma_start3A_45] : memref<16x64x128xf32, #tpu.memory_space<vmem_shared>> -> memref<1x64x128xf32, #tpu.memory_space<vmem_shared>>
    %dma_start3A_47 = tpu.memref_squeeze %dma_start3A_46 : memref<1x64x128xf32, #tpu.memory_space<vmem_shared>> -> memref<64x128xf32, #tpu.memory_space<vmem_shared>>
    tpu.enqueue_dma source(%dma_start3A_47 : memref<64x128xf32, #tpu.memory_space<vmem_shared>>) target(%dma_start3A_43 : memref<64x128xf32, #tpu.memory_space<vmem>>) target_semaphore(%arg10 : memref<!tpu.dma_semaphore, #tpu.memory_space<semaphore_mem>>)
    %dma_start3A_48 = arith.constant 64 : i32
    %dma_start3A_49 = arith.constant 0 : i32
    %dma_start3A_50 = tpu.memref_slice %arg7[%dma_start3A_48, %dma_start3A_49] : memref<256x128xf32, #tpu.memory_space<vmem>> -> memref<64x128xf32, #tpu.memory_space<vmem>>
    %dma_start3A_51 = arith.constant 0 : i32
    %dma_start3A_52 = arith.constant 0 : i32
    %dma_start3A_53 = tpu.memref_slice %arg8[%arg1, %dma_start3A_51, %dma_start3A_52] : memref<16x64x128xf32, #tpu.memory_space<vmem_shared>> -> memref<1x64x128xf32, #tpu.memory_space<vmem_shared>>
    %dma_start3A_54 = tpu.memref_squeeze %dma_start3A_53 : memref<1x64x128xf32, #tpu.memory_space<vmem_shared>> -> memref<64x128xf32, #tpu.memory_space<vmem_shared>>
    %dma_start3A_55 = arith.constant 64 : i32
    %dma_start3A_56 = arith.constant 0 : i32
    %dma_start3A_57 = tpu.memref_slice %arg7[%dma_start3A_55, %dma_start3A_56] : memref<256x128xf32, #tpu.memory_space<vmem>> -> memref<64x128xf32, #tpu.memory_space<vmem>>
    %dma_start3A_58 = arith.constant 0 : i32
    %dma_start3A_59 = arith.constant 0 : i32
    %dma_start3A_60 = tpu.memref_slice %arg8[%arg1, %dma_start3A_58, %dma_start3A_59] : memref<16x64x128xf32, #tpu.memory_space<vmem_shared>> -> memref<1x64x128xf32, #tpu.memory_space<vmem_shared>>
    %dma_start3A_61 = tpu.memref_squeeze %dma_start3A_60 : memref<1x64x128xf32, #tpu.memory_space<vmem_shared>> -> memref<64x128xf32, #tpu.memory_space<vmem_shared>>
    tpu.enqueue_dma source(%dma_start3A_61 : memref<64x128xf32, #tpu.memory_space<vmem_shared>>) target(%dma_start3A_57 : memref<64x128xf32, #tpu.memory_space<vmem>>) target_semaphore(%arg11 : memref<!tpu.dma_semaphore, #tpu.memory_space<semaphore_mem>>)
    %dma_start3A_62 = arith.constant 128 : i32
    %dma_start3A_63 = arith.constant 0 : i32
    %dma_start3A_64 = tpu.memref_slice %arg7[%dma_start3A_62, %dma_start3A_63] : memref<256x128xf32, #tpu.memory_space<vmem>> -> memref<64x128xf32, #tpu.memory_space<vmem>>
    %dma_start3A_65 = arith.constant 0 : i32
    %dma_start3A_66 = arith.constant 0 : i32
    %dma_start3A_67 = tpu.memref_slice %arg8[%arg1, %dma_start3A_65, %dma_start3A_66] : memref<16x64x128xf32, #tpu.memory_space<vmem_shared>> -> memref<1x64x128xf32, #tpu.memory_space<vmem_shared>>
    %dma_start3A_68 = tpu.memref_squeeze %dma_start3A_67 : memref<1x64x128xf32, #tpu.memory_space<vmem_shared>> -> memref<64x128xf32, #tpu.memory_space<vmem_shared>>
    %dma_start3A_69 = arith.constant 128 : i32
    %dma_start3A_70 = arith.constant 0 : i32
    %dma_start3A_71 = tpu.memref_slice %arg7[%dma_start3A_69, %dma_start3A_70] : memref<256x128xf32, #tpu.memory_space<vmem>> -> memref<64x128xf32, #tpu.memory_space<vmem>>
    %dma_start3A_72 = arith.constant 0 : i32
    %dma_start3A_73 = arith.constant 0 : i32
    %dma_start3A_74 = tpu.memref_slice %arg8[%arg1, %dma_start3A_72, %dma_start3A_73] : memref<16x64x128xf32, #tpu.memory_space<vmem_shared>> -> memref<1x64x128xf32, #tpu.memory_space<vmem_shared>>
    %dma_start3A_75 = tpu.memref_squeeze %dma_start3A_74 : memref<1x64x128xf32, #tpu.memory_space<vmem_shared>> -> memref<64x128xf32, #tpu.memory_space<vmem_shared>>
    tpu.enqueue_dma source(%dma_start3A_75 : memref<64x128xf32, #tpu.memory_space<vmem_shared>>) target(%dma_start3A_71 : memref<64x128xf32, #tpu.memory_space<vmem>>) target_semaphore(%arg12 : memref<!tpu.dma_semaphore, #tpu.memory_space<semaphore_mem>>)
    %dma_start3A_76 = arith.constant 192 : i32
    %dma_start3A_77 = arith.constant 0 : i32
    %dma_start3A_78 = tpu.memref_slice %arg7[%dma_start3A_76, %dma_start3A_77] : memref<256x128xf32, #tpu.memory_space<vmem>> -> memref<64x128xf32, #tpu.memory_space<vmem>>
    %dma_start3A_79 = arith.constant 0 : i32
    %dma_start3A_80 = arith.constant 0 : i32
    %dma_start3A_81 = tpu.memref_slice %arg8[%arg1, %dma_start3A_79, %dma_start3A_80] : memref<16x64x128xf32, #tpu.memory_space<vmem_shared>> -> memref<1x64x128xf32, #tpu.memory_space<vmem_shared>>
    %dma_start3A_82 = tpu.memref_squeeze %dma_start3A_81 : memref<1x64x128xf32, #tpu.memory_space<vmem_shared>> -> memref<64x128xf32, #tpu.memory_space<vmem_shared>>
    %dma_start3A_83 = arith.constant 192 : i32
    %dma_start3A_84 = arith.constant 0 : i32
    %dma_start3A_85 = tpu.memref_slice %arg7[%dma_start3A_83, %dma_start3A_84] : memref<256x128xf32, #tpu.memory_space<vmem>> -> memref<64x128xf32, #tpu.memory_space<vmem>>
    %dma_start3A_86 = arith.constant 0 : i32
    %dma_start3A_87 = arith.constant 0 : i32
    %dma_start3A_88 = tpu.memref_slice %arg8[%arg1, %dma_start3A_86, %dma_start3A_87] : memref<16x64x128xf32, #tpu.memory_space<vmem_shared>> -> memref<1x64x128xf32, #tpu.memory_space<vmem_shared>>
    %dma_start3A_89 = tpu.memref_squeeze %dma_start3A_88 : memref<1x64x128xf32, #tpu.memory_space<vmem_shared>> -> memref<64x128xf32, #tpu.memory_space<vmem_shared>>
    tpu.enqueue_dma source(%dma_start3A_89 : memref<64x128xf32, #tpu.memory_space<vmem_shared>>) target(%dma_start3A_85 : memref<64x128xf32, #tpu.memory_space<vmem>>) target_semaphore(%arg13 : memref<!tpu.dma_semaphore, #tpu.memory_space<semaphore_mem>>)
    %dma_wait3A = arith.constant 0 : i32
    %dma_wait3A_90 = tpu.memref_slice %arg6[%dma_wait3A] : memref<256xi32, #tpu.memory_space<vmem>> -> memref<64xi32, #tpu.memory_space<vmem>>
    %dma_wait3A_91 = tpu.memref_slice %arg2[%add3A_4] : memref<8192xi32, #tpu.memory_space<hbm>> -> memref<64xi32, #tpu.memory_space<hbm>>
    %dma_wait3A_92 = arith.constant 0 : i32
    %dma_wait3A_93 = tpu.memref_slice %arg6[%dma_wait3A_92] : memref<256xi32, #tpu.memory_space<vmem>> -> memref<64xi32, #tpu.memory_space<vmem>>
    %dma_wait3A_94 = tpu.memref_slice %arg2[%add3A_4] : memref<8192xi32, #tpu.memory_space<hbm>> -> memref<64xi32, #tpu.memory_space<hbm>>
    tpu.wait_dma2 semaphore(%arg9 : memref<!tpu.dma_semaphore, #tpu.memory_space<semaphore_mem>>) src(%dma_wait3A_94 : memref<64xi32, #tpu.memory_space<hbm>>) dst(%dma_wait3A_93 : memref<64xi32, #tpu.memory_space<vmem>>)
    %dma_wait3A_95 = arith.constant 64 : i32
    %dma_wait3A_96 = tpu.memref_slice %arg6[%dma_wait3A_95] : memref<256xi32, #tpu.memory_space<vmem>> -> memref<64xi32, #tpu.memory_space<vmem>>
    %dma_wait3A_97 = tpu.memref_slice %arg2[%add3A_11] : memref<8192xi32, #tpu.memory_space<hbm>> -> memref<64xi32, #tpu.memory_space<hbm>>
    %dma_wait3A_98 = arith.constant 64 : i32
    %dma_wait3A_99 = tpu.memref_slice %arg6[%dma_wait3A_98] : memref<256xi32, #tpu.memory_space<vmem>> -> memref<64xi32, #tpu.memory_space<vmem>>
    %dma_wait3A_100 = tpu.memref_slice %arg2[%add3A_11] : memref<8192xi32, #tpu.memory_space<hbm>> -> memref<64xi32, #tpu.memory_space<hbm>>
    tpu.wait_dma2 semaphore(%arg9 : memref<!tpu.dma_semaphore, #tpu.memory_space<semaphore_mem>>) src(%dma_wait3A_100 : memref<64xi32, #tpu.memory_space<hbm>>) dst(%dma_wait3A_99 : memref<64xi32, #tpu.memory_space<vmem>>)
    %dma_wait3A_101 = arith.constant 128 : i32
    %dma_wait3A_102 = tpu.memref_slice %arg6[%dma_wait3A_101] : memref<256xi32, #tpu.memory_space<vmem>> -> memref<64xi32, #tpu.memory_space<vmem>>
    %dma_wait3A_103 = tpu.memref_slice %arg2[%add3A_19] : memref<8192xi32, #tpu.memory_space<hbm>> -> memref<64xi32, #tpu.memory_space<hbm>>
    %dma_wait3A_104 = arith.constant 128 : i32
    %dma_wait3A_105 = tpu.memref_slice %arg6[%dma_wait3A_104] : memref<256xi32, #tpu.memory_space<vmem>> -> memref<64xi32, #tpu.memory_space<vmem>>
    %dma_wait3A_106 = tpu.memref_slice %arg2[%add3A_19] : memref<8192xi32, #tpu.memory_space<hbm>> -> memref<64xi32, #tpu.memory_space<hbm>>
    tpu.wait_dma2 semaphore(%arg9 : memref<!tpu.dma_semaphore, #tpu.memory_space<semaphore_mem>>) src(%dma_wait3A_106 : memref<64xi32, #tpu.memory_space<hbm>>) dst(%dma_wait3A_105 : memref<64xi32, #tpu.memory_space<vmem>>)
    %dma_wait3A_107 = arith.constant 192 : i32
    %dma_wait3A_108 = tpu.memref_slice %arg6[%dma_wait3A_107] : memref<256xi32, #tpu.memory_space<vmem>> -> memref<64xi32, #tpu.memory_space<vmem>>
    %dma_wait3A_109 = tpu.memref_slice %arg2[%add3A_27] : memref<8192xi32, #tpu.memory_space<hbm>> -> memref<64xi32, #tpu.memory_space<hbm>>
    %dma_wait3A_110 = arith.constant 192 : i32
    %dma_wait3A_111 = tpu.memref_slice %arg6[%dma_wait3A_110] : memref<256xi32, #tpu.memory_space<vmem>> -> memref<64xi32, #tpu.memory_space<vmem>>
    %dma_wait3A_112 = tpu.memref_slice %arg2[%add3A_27] : memref<8192xi32, #tpu.memory_space<hbm>> -> memref<64xi32, #tpu.memory_space<hbm>>
    tpu.wait_dma2 semaphore(%arg9 : memref<!tpu.dma_semaphore, #tpu.memory_space<semaphore_mem>>) src(%dma_wait3A_112 : memref<64xi32, #tpu.memory_space<hbm>>) dst(%dma_wait3A_111 : memref<64xi32, #tpu.memory_space<vmem>>)
    %dma_wait3A_113 = arith.constant 0 : i32
    %dma_wait3A_114 = arith.constant 0 : i32
    %dma_wait3A_115 = tpu.memref_slice %arg7[%dma_wait3A_113, %dma_wait3A_114] : memref<256x128xf32, #tpu.memory_space<vmem>> -> memref<64x128xf32, #tpu.memory_space<vmem>>
    %dma_wait3A_116 = arith.constant 0 : i32
    %dma_wait3A_117 = arith.constant 0 : i32
    %dma_wait3A_118 = tpu.memref_slice %arg8[%arg1, %dma_wait3A_116, %dma_wait3A_117] : memref<16x64x128xf32, #tpu.memory_space<vmem_shared>> -> memref<1x64x128xf32, #tpu.memory_space<vmem_shared>>
    %dma_wait3A_119 = tpu.memref_squeeze %dma_wait3A_118 : memref<1x64x128xf32, #tpu.memory_space<vmem_shared>> -> memref<64x128xf32, #tpu.memory_space<vmem_shared>>
    %dma_wait3A_120 = arith.constant 0 : i32
    %dma_wait3A_121 = arith.constant 0 : i32
    %dma_wait3A_122 = tpu.memref_slice %arg7[%dma_wait3A_120, %dma_wait3A_121] : memref<256x128xf32, #tpu.memory_space<vmem>> -> memref<64x128xf32, #tpu.memory_space<vmem>>
    %dma_wait3A_123 = arith.constant 0 : i32
    %dma_wait3A_124 = arith.constant 0 : i32
    %dma_wait3A_125 = tpu.memref_slice %arg8[%arg1, %dma_wait3A_123, %dma_wait3A_124] : memref<16x64x128xf32, #tpu.memory_space<vmem_shared>> -> memref<1x64x128xf32, #tpu.memory_space<vmem_shared>>
    %dma_wait3A_126 = tpu.memref_squeeze %dma_wait3A_125 : memref<1x64x128xf32, #tpu.memory_space<vmem_shared>> -> memref<64x128xf32, #tpu.memory_space<vmem_shared>>
    tpu.wait_dma2 semaphore(%arg10 : memref<!tpu.dma_semaphore, #tpu.memory_space<semaphore_mem>>) src(%dma_wait3A_126 : memref<64x128xf32, #tpu.memory_space<vmem_shared>>) dst(%dma_wait3A_122 : memref<64x128xf32, #tpu.memory_space<vmem>>)
    %dma_start3A_127 = arith.constant 0 : i32
    %dma_start3A_128 = arith.constant 0 : i32
    %dma_start3A_129 = tpu.memref_slice %arg7[%dma_start3A_127, %dma_start3A_128] : memref<256x128xf32, #tpu.memory_space<vmem>> -> memref<64x128xf32, #tpu.memory_space<vmem>>
    %dma_start3A_130 = arith.constant 0 : i32
    %dma_start3A_131 = tpu.memref_slice %arg6[%dma_start3A_130] : memref<256xi32, #tpu.memory_space<vmem>> -> memref<64xi32, #tpu.memory_space<vmem>>
    %dma_start3A_132 = arith.constant 0 : i32
    %dma_start3A_133 = arith.constant 0 : i32
    %dma_start3A_134 = tpu.memref_slice %arg3[%dma_start3A_132, %dma_start3A_133] : memref<100000x128xf32, #tpu.memory_space<hbm>> -> memref<100000x128xf32, #tpu.memory_space<hbm>>
    tpu.enqueue_indirect_dma source(%dma_start3A_134 : memref<100000x128xf32, #tpu.memory_space<hbm>>) target(%dma_start3A_129 : memref<64x128xf32, #tpu.memory_space<vmem>>) offsets(%dma_start3A_131 : memref<64xi32, #tpu.memory_space<vmem>>) semaphore(%arg14 : memref<!tpu.dma_semaphore, #tpu.memory_space<semaphore_mem>>) {add = true}
    %dma_wait3A_135 = arith.constant 64 : i32
    %dma_wait3A_136 = arith.constant 0 : i32
    %dma_wait3A_137 = tpu.memref_slice %arg7[%dma_wait3A_135, %dma_wait3A_136] : memref<256x128xf32, #tpu.memory_space<vmem>> -> memref<64x128xf32, #tpu.memory_space<vmem>>
    %dma_wait3A_138 = arith.constant 0 : i32
    %dma_wait3A_139 = arith.constant 0 : i32
    %dma_wait3A_140 = tpu.memref_slice %arg8[%arg1, %dma_wait3A_138, %dma_wait3A_139] : memref<16x64x128xf32, #tpu.memory_space<vmem_shared>> -> memref<1x64x128xf32, #tpu.memory_space<vmem_shared>>
    %dma_wait3A_141 = tpu.memref_squeeze %dma_wait3A_140 : memref<1x64x128xf32, #tpu.memory_space<vmem_shared>> -> memref<64x128xf32, #tpu.memory_space<vmem_shared>>
    %dma_wait3A_142 = arith.constant 64 : i32
    %dma_wait3A_143 = arith.constant 0 : i32
    %dma_wait3A_144 = tpu.memref_slice %arg7[%dma_wait3A_142, %dma_wait3A_143] : memref<256x128xf32, #tpu.memory_space<vmem>> -> memref<64x128xf32, #tpu.memory_space<vmem>>
    %dma_wait3A_145 = arith.constant 0 : i32
    %dma_wait3A_146 = arith.constant 0 : i32
    %dma_wait3A_147 = tpu.memref_slice %arg8[%arg1, %dma_wait3A_145, %dma_wait3A_146] : memref<16x64x128xf32, #tpu.memory_space<vmem_shared>> -> memref<1x64x128xf32, #tpu.memory_space<vmem_shared>>
    %dma_wait3A_148 = tpu.memref_squeeze %dma_wait3A_147 : memref<1x64x128xf32, #tpu.memory_space<vmem_shared>> -> memref<64x128xf32, #tpu.memory_space<vmem_shared>>
    tpu.wait_dma2 semaphore(%arg11 : memref<!tpu.dma_semaphore, #tpu.memory_space<semaphore_mem>>) src(%dma_wait3A_148 : memref<64x128xf32, #tpu.memory_space<vmem_shared>>) dst(%dma_wait3A_144 : memref<64x128xf32, #tpu.memory_space<vmem>>)
    %dma_start3A_149 = arith.constant 64 : i32
    %dma_start3A_150 = arith.constant 0 : i32
    %dma_start3A_151 = tpu.memref_slice %arg7[%dma_start3A_149, %dma_start3A_150] : memref<256x128xf32, #tpu.memory_space<vmem>> -> memref<64x128xf32, #tpu.memory_space<vmem>>
    %dma_start3A_152 = arith.constant 64 : i32
    %dma_start3A_153 = tpu.memref_slice %arg6[%dma_start3A_152] : memref<256xi32, #tpu.memory_space<vmem>> -> memref<64xi32, #tpu.memory_space<vmem>>
    %dma_start3A_154 = arith.constant 0 : i32
    %dma_start3A_155 = arith.constant 0 : i32
    %dma_start3A_156 = tpu.memref_slice %arg3[%dma_start3A_154, %dma_start3A_155] : memref<100000x128xf32, #tpu.memory_space<hbm>> -> memref<100000x128xf32, #tpu.memory_space<hbm>>
    tpu.enqueue_indirect_dma source(%dma_start3A_156 : memref<100000x128xf32, #tpu.memory_space<hbm>>) target(%dma_start3A_151 : memref<64x128xf32, #tpu.memory_space<vmem>>) offsets(%dma_start3A_153 : memref<64xi32, #tpu.memory_space<vmem>>) semaphore(%arg15 : memref<!tpu.dma_semaphore, #tpu.memory_space<semaphore_mem>>) {add = true}
    %dma_wait3A_157 = arith.constant 128 : i32
    %dma_wait3A_158 = arith.constant 0 : i32
    %dma_wait3A_159 = tpu.memref_slice %arg7[%dma_wait3A_157, %dma_wait3A_158] : memref<256x128xf32, #tpu.memory_space<vmem>> -> memref<64x128xf32, #tpu.memory_space<vmem>>
    %dma_wait3A_160 = arith.constant 0 : i32
    %dma_wait3A_161 = arith.constant 0 : i32
    %dma_wait3A_162 = tpu.memref_slice %arg8[%arg1, %dma_wait3A_160, %dma_wait3A_161] : memref<16x64x128xf32, #tpu.memory_space<vmem_shared>> -> memref<1x64x128xf32, #tpu.memory_space<vmem_shared>>
    %dma_wait3A_163 = tpu.memref_squeeze %dma_wait3A_162 : memref<1x64x128xf32, #tpu.memory_space<vmem_shared>> -> memref<64x128xf32, #tpu.memory_space<vmem_shared>>
    %dma_wait3A_164 = arith.constant 128 : i32
    %dma_wait3A_165 = arith.constant 0 : i32
    %dma_wait3A_166 = tpu.memref_slice %arg7[%dma_wait3A_164, %dma_wait3A_165] : memref<256x128xf32, #tpu.memory_space<vmem>> -> memref<64x128xf32, #tpu.memory_space<vmem>>
    %dma_wait3A_167 = arith.constant 0 : i32
    %dma_wait3A_168 = arith.constant 0 : i32
    %dma_wait3A_169 = tpu.memref_slice %arg8[%arg1, %dma_wait3A_167, %dma_wait3A_168] : memref<16x64x128xf32, #tpu.memory_space<vmem_shared>> -> memref<1x64x128xf32, #tpu.memory_space<vmem_shared>>
    %dma_wait3A_170 = tpu.memref_squeeze %dma_wait3A_169 : memref<1x64x128xf32, #tpu.memory_space<vmem_shared>> -> memref<64x128xf32, #tpu.memory_space<vmem_shared>>
    tpu.wait_dma2 semaphore(%arg12 : memref<!tpu.dma_semaphore, #tpu.memory_space<semaphore_mem>>) src(%dma_wait3A_170 : memref<64x128xf32, #tpu.memory_space<vmem_shared>>) dst(%dma_wait3A_166 : memref<64x128xf32, #tpu.memory_space<vmem>>)
    %dma_start3A_171 = arith.constant 128 : i32
    %dma_start3A_172 = arith.constant 0 : i32
    %dma_start3A_173 = tpu.memref_slice %arg7[%dma_start3A_171, %dma_start3A_172] : memref<256x128xf32, #tpu.memory_space<vmem>> -> memref<64x128xf32, #tpu.memory_space<vmem>>
    %dma_start3A_174 = arith.constant 128 : i32
    %dma_start3A_175 = tpu.memref_slice %arg6[%dma_start3A_174] : memref<256xi32, #tpu.memory_space<vmem>> -> memref<64xi32, #tpu.memory_space<vmem>>
    %dma_start3A_176 = arith.constant 0 : i32
    %dma_start3A_177 = arith.constant 0 : i32
    %dma_start3A_178 = tpu.memref_slice %arg3[%dma_start3A_176, %dma_start3A_177] : memref<100000x128xf32, #tpu.memory_space<hbm>> -> memref<100000x128xf32, #tpu.memory_space<hbm>>
    tpu.enqueue_indirect_dma source(%dma_start3A_178 : memref<100000x128xf32, #tpu.memory_space<hbm>>) target(%dma_start3A_173 : memref<64x128xf32, #tpu.memory_space<vmem>>) offsets(%dma_start3A_175 : memref<64xi32, #tpu.memory_space<vmem>>) semaphore(%arg16 : memref<!tpu.dma_semaphore, #tpu.memory_space<semaphore_mem>>) {add = true}
    %dma_wait3A_179 = arith.constant 192 : i32
    %dma_wait3A_180 = arith.constant 0 : i32
    %dma_wait3A_181 = tpu.memref_slice %arg7[%dma_wait3A_179, %dma_wait3A_180] : memref<256x128xf32, #tpu.memory_space<vmem>> -> memref<64x128xf32, #tpu.memory_space<vmem>>
    %dma_wait3A_182 = arith.constant 0 : i32
    %dma_wait3A_183 = arith.constant 0 : i32
    %dma_wait3A_184 = tpu.memref_slice %arg8[%arg1, %dma_wait3A_182, %dma_wait3A_183] : memref<16x64x128xf32, #tpu.memory_space<vmem_shared>> -> memref<1x64x128xf32, #tpu.memory_space<vmem_shared>>
    %dma_wait3A_185 = tpu.memref_squeeze %dma_wait3A_184 : memref<1x64x128xf32, #tpu.memory_space<vmem_shared>> -> memref<64x128xf32, #tpu.memory_space<vmem_shared>>
    %dma_wait3A_186 = arith.constant 192 : i32
    %dma_wait3A_187 = arith.constant 0 : i32
    %dma_wait3A_188 = tpu.memref_slice %arg7[%dma_wait3A_186, %dma_wait3A_187] : memref<256x128xf32, #tpu.memory_space<vmem>> -> memref<64x128xf32, #tpu.memory_space<vmem>>
    %dma_wait3A_189 = arith.constant 0 : i32
    %dma_wait3A_190 = arith.constant 0 : i32
    %dma_wait3A_191 = tpu.memref_slice %arg8[%arg1, %dma_wait3A_189, %dma_wait3A_190] : memref<16x64x128xf32, #tpu.memory_space<vmem_shared>> -> memref<1x64x128xf32, #tpu.memory_space<vmem_shared>>
    %dma_wait3A_192 = tpu.memref_squeeze %dma_wait3A_191 : memref<1x64x128xf32, #tpu.memory_space<vmem_shared>> -> memref<64x128xf32, #tpu.memory_space<vmem_shared>>
    tpu.wait_dma2 semaphore(%arg13 : memref<!tpu.dma_semaphore, #tpu.memory_space<semaphore_mem>>) src(%dma_wait3A_192 : memref<64x128xf32, #tpu.memory_space<vmem_shared>>) dst(%dma_wait3A_188 : memref<64x128xf32, #tpu.memory_space<vmem>>)
    %dma_start3A_193 = arith.constant 192 : i32
    %dma_start3A_194 = arith.constant 0 : i32
    %dma_start3A_195 = tpu.memref_slice %arg7[%dma_start3A_193, %dma_start3A_194] : memref<256x128xf32, #tpu.memory_space<vmem>> -> memref<64x128xf32, #tpu.memory_space<vmem>>
    %dma_start3A_196 = arith.constant 192 : i32
    %dma_start3A_197 = tpu.memref_slice %arg6[%dma_start3A_196] : memref<256xi32, #tpu.memory_space<vmem>> -> memref<64xi32, #tpu.memory_space<vmem>>
    %dma_start3A_198 = arith.constant 0 : i32
    %dma_start3A_199 = arith.constant 0 : i32
    %dma_start3A_200 = tpu.memref_slice %arg3[%dma_start3A_198, %dma_start3A_199] : memref<100000x128xf32, #tpu.memory_space<hbm>> -> memref<100000x128xf32, #tpu.memory_space<hbm>>
    tpu.enqueue_indirect_dma source(%dma_start3A_200 : memref<100000x128xf32, #tpu.memory_space<hbm>>) target(%dma_start3A_195 : memref<64x128xf32, #tpu.memory_space<vmem>>) offsets(%dma_start3A_197 : memref<64xi32, #tpu.memory_space<vmem>>) semaphore(%arg17 : memref<!tpu.dma_semaphore, #tpu.memory_space<semaphore_mem>>) {add = true}
    %dma_wait3A_201 = arith.constant 0 : i32
    %dma_wait3A_202 = arith.constant 0 : i32
    %dma_wait3A_203 = tpu.memref_slice %arg7[%dma_wait3A_201, %dma_wait3A_202] : memref<256x128xf32, #tpu.memory_space<vmem>> -> memref<64x128xf32, #tpu.memory_space<vmem>>
    %dma_wait3A_204 = arith.constant 0 : i32
    %dma_wait3A_205 = tpu.memref_slice %arg6[%dma_wait3A_204] : memref<256xi32, #tpu.memory_space<vmem>> -> memref<64xi32, #tpu.memory_space<vmem>>
    %dma_wait3A_206 = arith.constant 0 : i32
    %dma_wait3A_207 = arith.constant 0 : i32
    %dma_wait3A_208 = tpu.memref_slice %arg3[%dma_wait3A_206, %dma_wait3A_207] : memref<100000x128xf32, #tpu.memory_space<hbm>> -> memref<100000x128xf32, #tpu.memory_space<hbm>>
    tpu.wait_indirect_dma semaphore(%arg14 : memref<!tpu.dma_semaphore, #tpu.memory_space<semaphore_mem>>) src(%dma_wait3A_208 : memref<100000x128xf32, #tpu.memory_space<hbm>>) dst(%dma_wait3A_203 : memref<64x128xf32, #tpu.memory_space<vmem>>)
    %add3A_209 = arith.constant 0 : i32
    %add3A_210 = arith.addi %add3A_209, %mul3A_2 : i32
    %dma_start3A_211 = arith.constant 0 : i32
    %dma_start3A_212 = arith.constant 0 : i32
    %dma_start3A_213 = tpu.memref_slice %arg7[%dma_start3A_211, %dma_start3A_212] : memref<256x128xf32, #tpu.memory_space<vmem>> -> memref<64x128xf32, #tpu.memory_space<vmem>>
    %dma_start3A_214 = arith.constant 0 : i32
    %dma_start3A_215 = tpu.memref_slice %arg5[%add3A_210, %dma_start3A_214] : memref<8192x128xf32, #tpu.memory_space<hbm>> -> memref<64x128xf32, #tpu.memory_space<hbm>>
    %dma_start3A_216 = arith.constant 0 : i32
    %dma_start3A_217 = tpu.memref_slice %arg5[%add3A_210, %dma_start3A_216] : memref<8192x128xf32, #tpu.memory_space<hbm>> -> memref<64x128xf32, #tpu.memory_space<hbm>>
    %dma_start3A_218 = arith.constant 0 : i32
    %dma_start3A_219 = arith.constant 0 : i32
    %dma_start3A_220 = tpu.memref_slice %arg7[%dma_start3A_218, %dma_start3A_219] : memref<256x128xf32, #tpu.memory_space<vmem>> -> memref<64x128xf32, #tpu.memory_space<vmem>>
    tpu.enqueue_dma source(%dma_start3A_220 : memref<64x128xf32, #tpu.memory_space<vmem>>) target(%dma_start3A_217 : memref<64x128xf32, #tpu.memory_space<hbm>>) target_semaphore(%arg18 : memref<!tpu.dma_semaphore, #tpu.memory_space<semaphore_mem>>)
    %dma_wait3A_221 = arith.constant 64 : i32
    %dma_wait3A_222 = arith.constant 0 : i32
    %dma_wait3A_223 = tpu.memref_slice %arg7[%dma_wait3A_221, %dma_wait3A_222] : memref<256x128xf32, #tpu.memory_space<vmem>> -> memref<64x128xf32, #tpu.memory_space<vmem>>
    %dma_wait3A_224 = arith.constant 64 : i32
    %dma_wait3A_225 = tpu.memref_slice %arg6[%dma_wait3A_224] : memref<256xi32, #tpu.memory_space<vmem>> -> memref<64xi32, #tpu.memory_space<vmem>>
    %dma_wait3A_226 = arith.constant 0 : i32
    %dma_wait3A_227 = arith.constant 0 : i32
    %dma_wait3A_228 = tpu.memref_slice %arg3[%dma_wait3A_226, %dma_wait3A_227] : memref<100000x128xf32, #tpu.memory_space<hbm>> -> memref<100000x128xf32, #tpu.memory_space<hbm>>
    tpu.wait_indirect_dma semaphore(%arg15 : memref<!tpu.dma_semaphore, #tpu.memory_space<semaphore_mem>>) src(%dma_wait3A_228 : memref<100000x128xf32, #tpu.memory_space<hbm>>) dst(%dma_wait3A_223 : memref<64x128xf32, #tpu.memory_space<vmem>>)
    %add3A_229 = arith.constant 2048 : i32
    %add3A_230 = arith.addi %add3A_229, %mul3A_2 : i32
    %dma_start3A_231 = arith.constant 64 : i32
    %dma_start3A_232 = arith.constant 0 : i32
    %dma_start3A_233 = tpu.memref_slice %arg7[%dma_start3A_231, %dma_start3A_232] : memref<256x128xf32, #tpu.memory_space<vmem>> -> memref<64x128xf32, #tpu.memory_space<vmem>>
    %dma_start3A_234 = arith.constant 0 : i32
    %dma_start3A_235 = tpu.memref_slice %arg5[%add3A_230, %dma_start3A_234] : memref<8192x128xf32, #tpu.memory_space<hbm>> -> memref<64x128xf32, #tpu.memory_space<hbm>>
    %dma_start3A_236 = arith.constant 0 : i32
    %dma_start3A_237 = tpu.memref_slice %arg5[%add3A_230, %dma_start3A_236] : memref<8192x128xf32, #tpu.memory_space<hbm>> -> memref<64x128xf32, #tpu.memory_space<hbm>>
    %dma_start3A_238 = arith.constant 64 : i32
    %dma_start3A_239 = arith.constant 0 : i32
    %dma_start3A_240 = tpu.memref_slice %arg7[%dma_start3A_238, %dma_start3A_239] : memref<256x128xf32, #tpu.memory_space<vmem>> -> memref<64x128xf32, #tpu.memory_space<vmem>>
    tpu.enqueue_dma source(%dma_start3A_240 : memref<64x128xf32, #tpu.memory_space<vmem>>) target(%dma_start3A_237 : memref<64x128xf32, #tpu.memory_space<hbm>>) target_semaphore(%arg18 : memref<!tpu.dma_semaphore, #tpu.memory_space<semaphore_mem>>)
    %dma_wait3A_241 = arith.constant 128 : i32
    %dma_wait3A_242 = arith.constant 0 : i32
    %dma_wait3A_243 = tpu.memref_slice %arg7[%dma_wait3A_241, %dma_wait3A_242] : memref<256x128xf32, #tpu.memory_space<vmem>> -> memref<64x128xf32, #tpu.memory_space<vmem>>
    %dma_wait3A_244 = arith.constant 128 : i32
    %dma_wait3A_245 = tpu.memref_slice %arg6[%dma_wait3A_244] : memref<256xi32, #tpu.memory_space<vmem>> -> memref<64xi32, #tpu.memory_space<vmem>>
    %dma_wait3A_246 = arith.constant 0 : i32
    %dma_wait3A_247 = arith.constant 0 : i32
    %dma_wait3A_248 = tpu.memref_slice %arg3[%dma_wait3A_246, %dma_wait3A_247] : memref<100000x128xf32, #tpu.memory_space<hbm>> -> memref<100000x128xf32, #tpu.memory_space<hbm>>
    tpu.wait_indirect_dma semaphore(%arg16 : memref<!tpu.dma_semaphore, #tpu.memory_space<semaphore_mem>>) src(%dma_wait3A_248 : memref<100000x128xf32, #tpu.memory_space<hbm>>) dst(%dma_wait3A_243 : memref<64x128xf32, #tpu.memory_space<vmem>>)
    %add3A_249 = arith.constant 4096 : i32
    %add3A_250 = arith.addi %add3A_249, %mul3A_2 : i32
    %dma_start3A_251 = arith.constant 128 : i32
    %dma_start3A_252 = arith.constant 0 : i32
    %dma_start3A_253 = tpu.memref_slice %arg7[%dma_start3A_251, %dma_start3A_252] : memref<256x128xf32, #tpu.memory_space<vmem>> -> memref<64x128xf32, #tpu.memory_space<vmem>>
    %dma_start3A_254 = arith.constant 0 : i32
    %dma_start3A_255 = tpu.memref_slice %arg5[%add3A_250, %dma_start3A_254] : memref<8192x128xf32, #tpu.memory_space<hbm>> -> memref<64x128xf32, #tpu.memory_space<hbm>>
    %dma_start3A_256 = arith.constant 0 : i32
    %dma_start3A_257 = tpu.memref_slice %arg5[%add3A_250, %dma_start3A_256] : memref<8192x128xf32, #tpu.memory_space<hbm>> -> memref<64x128xf32, #tpu.memory_space<hbm>>
    %dma_start3A_258 = arith.constant 128 : i32
    %dma_start3A_259 = arith.constant 0 : i32
    %dma_start3A_260 = tpu.memref_slice %arg7[%dma_start3A_258, %dma_start3A_259] : memref<256x128xf32, #tpu.memory_space<vmem>> -> memref<64x128xf32, #tpu.memory_space<vmem>>
    tpu.enqueue_dma source(%dma_start3A_260 : memref<64x128xf32, #tpu.memory_space<vmem>>) target(%dma_start3A_257 : memref<64x128xf32, #tpu.memory_space<hbm>>) target_semaphore(%arg18 : memref<!tpu.dma_semaphore, #tpu.memory_space<semaphore_mem>>)
    %dma_wait3A_261 = arith.constant 192 : i32
    %dma_wait3A_262 = arith.constant 0 : i32
    %dma_wait3A_263 = tpu.memref_slice %arg7[%dma_wait3A_261, %dma_wait3A_262] : memref<256x128xf32, #tpu.memory_space<vmem>> -> memref<64x128xf32, #tpu.memory_space<vmem>>
    %dma_wait3A_264 = arith.constant 192 : i32
    %dma_wait3A_265 = tpu.memref_slice %arg6[%dma_wait3A_264] : memref<256xi32, #tpu.memory_space<vmem>> -> memref<64xi32, #tpu.memory_space<vmem>>
    %dma_wait3A_266 = arith.constant 0 : i32
    %dma_wait3A_267 = arith.constant 0 : i32
    %dma_wait3A_268 = tpu.memref_slice %arg3[%dma_wait3A_266, %dma_wait3A_267] : memref<100000x128xf32, #tpu.memory_space<hbm>> -> memref<100000x128xf32, #tpu.memory_space<hbm>>
    tpu.wait_indirect_dma semaphore(%arg17 : memref<!tpu.dma_semaphore, #tpu.memory_space<semaphore_mem>>) src(%dma_wait3A_268 : memref<100000x128xf32, #tpu.memory_space<hbm>>) dst(%dma_wait3A_263 : memref<64x128xf32, #tpu.memory_space<vmem>>)
    %add3A_269 = arith.constant 6144 : i32
    %add3A_270 = arith.addi %add3A_269, %mul3A_2 : i32
    %dma_start3A_271 = arith.constant 192 : i32
    %dma_start3A_272 = arith.constant 0 : i32
    %dma_start3A_273 = tpu.memref_slice %arg7[%dma_start3A_271, %dma_start3A_272] : memref<256x128xf32, #tpu.memory_space<vmem>> -> memref<64x128xf32, #tpu.memory_space<vmem>>
    %dma_start3A_274 = arith.constant 0 : i32
    %dma_start3A_275 = tpu.memref_slice %arg5[%add3A_270, %dma_start3A_274] : memref<8192x128xf32, #tpu.memory_space<hbm>> -> memref<64x128xf32, #tpu.memory_space<hbm>>
    %dma_start3A_276 = arith.constant 0 : i32
    %dma_start3A_277 = tpu.memref_slice %arg5[%add3A_270, %dma_start3A_276] : memref<8192x128xf32, #tpu.memory_space<hbm>> -> memref<64x128xf32, #tpu.memory_space<hbm>>
    %dma_start3A_278 = arith.constant 192 : i32
    %dma_start3A_279 = arith.constant 0 : i32
    %dma_start3A_280 = tpu.memref_slice %arg7[%dma_start3A_278, %dma_start3A_279] : memref<256x128xf32, #tpu.memory_space<vmem>> -> memref<64x128xf32, #tpu.memory_space<vmem>>
    tpu.enqueue_dma source(%dma_start3A_280 : memref<64x128xf32, #tpu.memory_space<vmem>>) target(%dma_start3A_277 : memref<64x128xf32, #tpu.memory_space<hbm>>) target_semaphore(%arg18 : memref<!tpu.dma_semaphore, #tpu.memory_space<semaphore_mem>>)
    %dma_wait3A_281 = arith.constant 0 : i32
    %dma_wait3A_282 = arith.constant 0 : i32
    %dma_wait3A_283 = tpu.memref_slice %arg7[%dma_wait3A_281, %dma_wait3A_282] : memref<256x128xf32, #tpu.memory_space<vmem>> -> memref<64x128xf32, #tpu.memory_space<vmem>>
    %dma_wait3A_284 = arith.constant 0 : i32
    %dma_wait3A_285 = tpu.memref_slice %arg5[%add3A_210, %dma_wait3A_284] : memref<8192x128xf32, #tpu.memory_space<hbm>> -> memref<64x128xf32, #tpu.memory_space<hbm>>
    %dma_wait3A_286 = arith.constant 0 : i32
    %dma_wait3A_287 = tpu.memref_slice %arg5[%add3A_210, %dma_wait3A_286] : memref<8192x128xf32, #tpu.memory_space<hbm>> -> memref<64x128xf32, #tpu.memory_space<hbm>>
    %dma_wait3A_288 = arith.constant 0 : i32
    %dma_wait3A_289 = arith.constant 0 : i32
    %dma_wait3A_290 = tpu.memref_slice %arg7[%dma_wait3A_288, %dma_wait3A_289] : memref<256x128xf32, #tpu.memory_space<vmem>> -> memref<64x128xf32, #tpu.memory_space<vmem>>
    tpu.wait_dma2 semaphore(%arg18 : memref<!tpu.dma_semaphore, #tpu.memory_space<semaphore_mem>>) src(%dma_wait3A_290 : memref<64x128xf32, #tpu.memory_space<vmem>>) dst(%dma_wait3A_287 : memref<64x128xf32, #tpu.memory_space<hbm>>)
    %dma_wait3A_291 = arith.constant 64 : i32
    %dma_wait3A_292 = arith.constant 0 : i32
    %dma_wait3A_293 = tpu.memref_slice %arg7[%dma_wait3A_291, %dma_wait3A_292] : memref<256x128xf32, #tpu.memory_space<vmem>> -> memref<64x128xf32, #tpu.memory_space<vmem>>
    %dma_wait3A_294 = arith.constant 0 : i32
    %dma_wait3A_295 = tpu.memref_slice %arg5[%add3A_230, %dma_wait3A_294] : memref<8192x128xf32, #tpu.memory_space<hbm>> -> memref<64x128xf32, #tpu.memory_space<hbm>>
    %dma_wait3A_296 = arith.constant 0 : i32
    %dma_wait3A_297 = tpu.memref_slice %arg5[%add3A_230, %dma_wait3A_296] : memref<8192x128xf32, #tpu.memory_space<hbm>> -> memref<64x128xf32, #tpu.memory_space<hbm>>
    %dma_wait3A_298 = arith.constant 64 : i32
    %dma_wait3A_299 = arith.constant 0 : i32
    %dma_wait3A_300 = tpu.memref_slice %arg7[%dma_wait3A_298, %dma_wait3A_299] : memref<256x128xf32, #tpu.memory_space<vmem>> -> memref<64x128xf32, #tpu.memory_space<vmem>>
    tpu.wait_dma2 semaphore(%arg18 : memref<!tpu.dma_semaphore, #tpu.memory_space<semaphore_mem>>) src(%dma_wait3A_300 : memref<64x128xf32, #tpu.memory_space<vmem>>) dst(%dma_wait3A_297 : memref<64x128xf32, #tpu.memory_space<hbm>>)
    %dma_wait3A_301 = arith.constant 128 : i32
    %dma_wait3A_302 = arith.constant 0 : i32
    %dma_wait3A_303 = tpu.memref_slice %arg7[%dma_wait3A_301, %dma_wait3A_302] : memref<256x128xf32, #tpu.memory_space<vmem>> -> memref<64x128xf32, #tpu.memory_space<vmem>>
    %dma_wait3A_304 = arith.constant 0 : i32
    %dma_wait3A_305 = tpu.memref_slice %arg5[%add3A_250, %dma_wait3A_304] : memref<8192x128xf32, #tpu.memory_space<hbm>> -> memref<64x128xf32, #tpu.memory_space<hbm>>
    %dma_wait3A_306 = arith.constant 0 : i32
    %dma_wait3A_307 = tpu.memref_slice %arg5[%add3A_250, %dma_wait3A_306] : memref<8192x128xf32, #tpu.memory_space<hbm>> -> memref<64x128xf32, #tpu.memory_space<hbm>>
    %dma_wait3A_308 = arith.constant 128 : i32
    %dma_wait3A_309 = arith.constant 0 : i32
    %dma_wait3A_310 = tpu.memref_slice %arg7[%dma_wait3A_308, %dma_wait3A_309] : memref<256x128xf32, #tpu.memory_space<vmem>> -> memref<64x128xf32, #tpu.memory_space<vmem>>
    tpu.wait_dma2 semaphore(%arg18 : memref<!tpu.dma_semaphore, #tpu.memory_space<semaphore_mem>>) src(%dma_wait3A_310 : memref<64x128xf32, #tpu.memory_space<vmem>>) dst(%dma_wait3A_307 : memref<64x128xf32, #tpu.memory_space<hbm>>)
    %dma_wait3A_311 = arith.constant 192 : i32
    %dma_wait3A_312 = arith.constant 0 : i32
    %dma_wait3A_313 = tpu.memref_slice %arg7[%dma_wait3A_311, %dma_wait3A_312] : memref<256x128xf32, #tpu.memory_space<vmem>> -> memref<64x128xf32, #tpu.memory_space<vmem>>
    %dma_wait3A_314 = arith.constant 0 : i32
    %dma_wait3A_315 = tpu.memref_slice %arg5[%add3A_270, %dma_wait3A_314] : memref<8192x128xf32, #tpu.memory_space<hbm>> -> memref<64x128xf32, #tpu.memory_space<hbm>>
    %dma_wait3A_316 = arith.constant 0 : i32
    %dma_wait3A_317 = tpu.memref_slice %arg5[%add3A_270, %dma_wait3A_316] : memref<8192x128xf32, #tpu.memory_space<hbm>> -> memref<64x128xf32, #tpu.memory_space<hbm>>
    %dma_wait3A_318 = arith.constant 192 : i32
    %dma_wait3A_319 = arith.constant 0 : i32
    %dma_wait3A_320 = tpu.memref_slice %arg7[%dma_wait3A_318, %dma_wait3A_319] : memref<256x128xf32, #tpu.memory_space<vmem>> -> memref<64x128xf32, #tpu.memory_space<vmem>>
    tpu.wait_dma2 semaphore(%arg18 : memref<!tpu.dma_semaphore, #tpu.memory_space<semaphore_mem>>) src(%dma_wait3A_320 : memref<64x128xf32, #tpu.memory_space<vmem>>) dst(%dma_wait3A_317 : memref<64x128xf32, #tpu.memory_space<hbm>>)
    return
  }
}

</mosaic_0001>

<sc_bundles>
// kernel: kernel.3.cloned.1.call-start
scs
__scs_entry_jumppad:
0x0: {  	(pc) =	sbr.rel $0x88, $3  }
0x1: {  	(tag) =	ssettag $0x0;
	lr =	simm.s32 $0x1  }
0x2: {  	[smem:$0x3F9E] =	sst lr;
	_ =	strace $0xD0000000  }
0x3: {  	_ = 	snop  }
0x4: {  	_ = 	snop  }
0x5: {  	_ = 	snop  }
0x6: {  	_ = 	snop  }
0x7: {  	_ = 	snop  }
__scs_overlays_trampoline_lowered:
0x8: {  	[smem:$0x3FAD] =	sst s0  }
0x9: {  	[smem:$0x3FAE] =	sst s1  }
0xa: {  	[smem:$0x3FAF] =	sst s2  }
0xb: {  	[smem:$0x3FB0] =	sst s3  }
0xc: {  	[smem:$0x3FB1] =	sst s4  }
0xd: {  	[smem:$0x3FB2] =	sst s5  }
0xe: {  	[smem:$0x3FB3] =	sst s6  }
0xf: {  	[smem:$0x3FB4] =	sst s7  }
0x10: {  	[smem:$0x3FB5] =	sst s8  }
0x11: {  	[smem:$0x3FB6] =	sst s9;
	s0 =	simm.s32 @!p0 $0x0  }
0x12: {  	s1 =	sld [smem:$0x3F9C];
	s0 =	simm.s32 @p0 $0x1  }
0x13: {  	[smem:$0x3FB7] =	sst s0;
	s0 =	simm.s32 @!p1 $0x0  }
0x14: {  	s2 =	sld [smem:$0x3F9B];
	s0 =	simm.s32 @p1 $0x1  }
0x15: {  	[smem:$0x3FB8] =	sst s0;
	s0 =	simm.s32 @!p2 $0x0  }
0x16: {  	s3 =	sld [smem:$0x3FDB];
	s0 =	simm.s32 @p2 $0x1  }
0x17: {  	s4 =	simm.s32 $0x1BF5;
	[smem:$0x3FBA] =	sst s0  }
0x18: {  	s0 =	sld [smem:$0x3F9D];
	_ =	swait.ge [sflag:s4], $0x0  }
0x19: {  	s7 =	sld [smem:$0x3F9E]  }
0x1a: {  	s8 =	sadd.s32 $0xFFFFE003, lr  }
0x1b: {  	s9 =	sadd.s32 $0xFFFFFEF7, lr;
	s5 =	simm.s32 $0xFFFFFFFF;
	p2 =	slt.u32 s8, $0xFFFFF086  }
0x1c: {  	p1 =	slt.u32 s9, $0xF7A;
	s5 =	simm.s32 @!p2 $0x0  }
0x1d: {  	s5 =	simm.s32 @p1 $0x1;
	p0 =	seq.s32 s7, s2  }
0x1e: {  	s7 =	smul.u32 @!p0 $0xF7A, s2;
	p2 =	seq.s32 @!p0 s5, $0x0  }
0x1f: {  	s9 =	smul.u32 $0xF7A, s1;
	s8 =	simm.s32 @!p0 $0x1BF5;
	p2 =	por !p2, p0  }
0x20: {  	[sflag:s8] =	ssyncset.s32 @!p0 $0xFFFFF086;
	s6 =	sadd.s32 @!p0 s3, s7;
	s7 =	simm.s32 @!p0 $0x108  }
0x21: {  	s3 =	sadd.s32 s3, s9;
	s6 =	sadd.s32 @!p0 $0x88, s6;
	s7 =	simm.s32 @p2 $0x1082  }
0x22: {  	[simem:s7], [sflag:s8] =	dma.local @!p0 [hbm:s6], $0xF7A  }
0x23: {  	s9 =	sor.u32 $0xD0000000, s2;
	s6 =	simm.s32 $0x108;
	_ =	swait.ge @!p0 [sflag:s8], $0x0  }
0x24: {  	s3 =	sadd.s32 $0x88, s3;
	s6 =	simm.s32 @!p1 $0x1082;
	[sflag:s4] =	ssyncset.s32 $0xFFFFF086  }
0x25: {  	[simem:s6], [sflag:s4] =	dma.local [hbm:s3], $0xF7A  }
0x26: {  	[smem:$0x3F9E] =	sst s1;
	(tag) =	ssettag s2;
	_ =	strace s9  }
0x27: {  	s1 =	sld [smem:$0x3FAE]  }
0x28: {  	s2 =	sld [smem:$0x3FAF]  }
0x29: {  	s4 =	sld [smem:$0x3FB1]  }
0x2a: {  	p0 =	seq.s32 s5, $0x0;
	s5 =	sld [smem:$0x3FB2]  }
0x2b: {  	s6 =	sld [smem:$0x3FB3]  }
0x2c: {  	s7 =	sld [smem:$0x3FB4]  }
0x2d: {  	s3 =	simm.s32 $0x108;
	s8 =	sld [smem:$0x3FB5]  }
0x2e: {  	s3 =	simm.s32 @!p0 $0x1082;
	s9 =	sld [smem:$0x3FB6]  }
0x2f: {  	lr =	sadd.s32 s0, s3;
	s0 =	sld [smem:$0x3FAD]  }
0x30: {  	s3 =	sld [smem:$0x3FB0]  }
0x31: {  	[smem:$0x3FB9] =	sst s10  }
0x32: {  	s10 =	sld [smem:$0x3FB7];
	_ =	sdelay $0x3  }
0x33: {  	p0 =	seq.s32 s10, $0x1;
	s10 =	sld [smem:$0x3FB9];
	_ =	sdelay $0x3  }
0x34: {  	[smem:$0x3FB9] =	sst s10  }
0x35: {  	s10 =	sld [smem:$0x3FB8];
	_ =	sdelay $0x3  }
0x36: {  	p1 =	seq.s32 s10, $0x1;
	s10 =	sld [smem:$0x3FB9];
	_ =	sdelay $0x3  }
0x37: {  	[smem:$0x3FB9] =	sst s10  }
0x38: {  	s10 =	sld [smem:$0x3FBA]  }
0x39: {  	_ = 	snop;
	(pc) =	sbr.ind lr, $3  }
0x3a: {  	_ = 	snop  }
0x3b: {  	_ = 	snop  }
0x3c: {  	p2 =	seq.s32 s10, $0x1;
	s10 =	sld [smem:$0x3FB9]  }
0x3d: {  	_ =	shalt  }
0x3e: {  	_ =	shalt  }
0x3f: {  	_ =	shalt  }
0x40: {  	_ =	shalt  }
0x41: {  	_ =	shalt  }
0x42: {  	_ =	shalt  }
0x43: {  	_ =	shalt  }
0x44: {  	_ =	shalt  }
0x45: {  	_ =	shalt  }
0x46: {  	_ =	shalt  }
0x47: {  	_ =	shalt  }
0x48: {  	_ =	shalt  }
0x49: {  	_ =	shalt  }
0x4a: {  	_ =	shalt  }
0x4b: {  	_ =	shalt  }
0x4c: {  	_ =	shalt  }
0x4d: {  	_ =	shalt  }
0x4e: {  	_ =	shalt  }
0x4f: {  	_ =	shalt  }
0x50: {  	_ =	shalt  }
0x51: {  	_ =	shalt  }
0x52: {  	_ =	shalt  }
0x53: {  	_ =	shalt  }
0x54: {  	_ =	shalt  }
0x55: {  	_ =	shalt  }
0x56: {  	_ =	shalt  }
0x57: {  	_ =	shalt  }
0x58: {  	_ =	shalt  }
0x59: {  	_ =	shalt  }
0x5a: {  	_ =	shalt  }
0x5b: {  	_ =	shalt  }
0x5c: {  	_ =	shalt  }
0x5d: {  	_ =	shalt  }
0x5e: {  	_ =	shalt  }
0x5f: {  	_ =	shalt  }
0x60: {  	_ =	shalt  }
0x61: {  	_ =	shalt  }
0x62: {  	_ =	shalt  }
0x63: {  	_ =	shalt  }
0x64: {  	_ =	shalt  }
0x65: {  	_ =	shalt  }
0x66: {  	_ =	shalt  }
0x67: {  	_ =	shalt  }
0x68: {  	_ =	shalt  }
0x69: {  	_ =	shalt  }
0x6a: {  	_ =	shalt  }
0x6b: {  	_ =	shalt  }
0x6c: {  	_ =	shalt  }
0x6d: {  	_ =	shalt  }
0x6e: {  	_ =	shalt  }
0x6f: {  	_ =	shalt  }
0x70: {  	_ =	shalt  }
0x71: {  	_ =	shalt  }
0x72: {  	_ =	shalt  }
0x73: {  	_ =	shalt  }
0x74: {  	_ =	shalt  }
0x75: {  	_ =	shalt  }
0x76: {  	_ =	shalt  }
0x77: {  	_ =	shalt  }
0x78: {  	_ =	shalt  }
0x79: {  	_ =	shalt  }
0x7a: {  	_ =	shalt  }
0x7b: {  	_ =	shalt  }
0x7c: {  	_ =	shalt  }
0x7d: {  	_ =	shalt  }
0x7e: {  	_ =	shalt  }
0x7f: {  	_ =	shalt  }
0x80: {  	_ =	shalt  }
0x81: {  	_ =	shalt  }
0x82: {  	_ =	shalt  }
0x83: {  	_ =	shalt  }
0x84: {  	_ =	shalt  }
0x85: {  	_ =	shalt  }
0x86: {  	_ =	shalt  }
0x87: {  	_ =	shalt  }
.Lfunc_end0:
.L_simem_size_0:
called_computation_lowered:
.L_overlay_start_0:
0x88: {  	s2 =	sld [smem:$0x3FD9]  }
0x89: {  	s3 =	sld [smem:$0x3FFE];
	_ =	sdelay $0x1  }
0x8a: {  	s1 =	srdreg.scid  }
0x8b: {  	s0 =	sand.u32 $0x1, s1  }
0x8c: {  	s17 =	sshll.u32 s0, $0xA;
	s2 =	sadd.s32 s3, s2  }
0x8d: {  	s2 =	sadd.s32 s2, s17  }
0x8e: {  	[smem:$0x3FC5] =	sst s2  }
0x8f: {  	_ = 	snop  }
0x90: {  	s2 =	sld [smem:$0x3FC8]  }
0x91: {  	s18 =	sld [smem:$0x3FC7]  }
0x92: {  	s4 =	sld [smem:$0x3FD0];
	(tm) =	ssettm $0x1  }
0x93: {  	s5 =	sld [smem:$0x3FFB];
	_ =	sdelay $0x3  }
0x94: {  	_ =	strace s5  }
0x95: {  	s5 =	sld [smem:$0x3FFC];
	_ =	sdelay $0x3  }
0x96: {  	_ =	strace s5  }
0x97: {  	s5 =	sld [smem:$0x3FFD];
	_ =	sdelay $0x3  }
0x98: {  	_ =	strace s5  }
0x99: {  	_ =	strace $0x8FFFFFFF  }
0x9a: {  	s19 =	sld [smem:$0x3FDB];
	_ =	sdelay $0x1  }
0x9b: {  	s6 =	simm.s32 $_scs_section_size  }
0x9c: {  	s7 =	simm.s32 $_size__tile_overlayer_lowered;
	s8 =	simm.s32 $_tile_overlayer_lowered  }
0x9d: {  	s22 =	simm.s32 $0x1BFF;
	s21 =	sshll.u32 s8, $0x1;
	s5 =	sadd.s32 s6, s19  }
0x9e: {  	s9 =	simm.s32 $0x0;
	s20 =	sshll.u32 s7, $0x1;
	s7 =	sadd.s32 s21, s5  }
0x9f: {  	[timem:s9], [sflag:s22] =	dma.local [hbm:s7], s20  }
0xa0: {  	_ =	swait.ge [sflag:s22], s20  }
0xa1: {  	s6 =	ssub.s32 $0x0, s20;
	[sflag:s22] =	ssyncset.done $0x0  }
0xa2: {  	[sflag:s22] =	ssyncadd.s32 s6;
	_ =	sdelay $0x1  }
0xa3: {  	s23 =	simm.s32 $0x1B8B  }
0xa4: {  	_ =	swait.ge [sflag:s23], $0x1  }
0xa5: {  	[sflag:s23] =	ssyncset.done $0x0  }
0xa6: {  	s25 =	simm.s32 $0x1B8E;
	s24 =	sld [smem:$0x3FFE];
	[sflag:s23] =	ssyncadd.s32 $0xFFFFFFFF  }
0xa7: {  	s26 =	simm.s32 $execute0_lowered;
	[smem:$0x3FD2] =	sst s25  }
0xa8: {  	s7 =	sshll.u32 s26, $0x1;
	_ =	strace $0x80000046;
	[dreg:$0x1] =	wrdreg $0xFFFFFFFF  }
0xa9: {  	s28 =	simm.s32 $_size_execute0_lowered;
	s5 =	sadd.s32 s5, s7;
	[dreg:$0x0] =	wrdreg $0x0  }
0xaa: {  	s7 =	sshll.u32 s28, $0x1;
	[dreg:$0x2] =	wrdreg s5  }
0xab: {  	[dreg:$0x3] =	wrdreg s7  }
0xac: {  	[dreg:$0x4] =	wrdreg $0xC0  }
0xad: {  	_ =	task [dreg:s9], $0x5FFFF  }
0xae: {  	[dreg:$0x1] =	wrdreg $0xFFFFFFFF  }
0xaf: {  	[dreg:$0x0] =	wrdreg $0x60  }
0xb0: {  	[dreg:$0x2] =	wrdreg s24  }
0xb1: {  	[dreg:$0x3] =	wrdreg s2  }
0xb2: {  	[dreg:$0x4] =	wrdreg s18  }
0xb3: {  	[dreg:$0x5] =	wrdreg s4  }
0xb4: {  	[dreg:$0x6] =	wrdreg $0x81000  }
0xb5: {  	[dreg:$0x7] =	wrdreg $0x9  }
0xb6: {  	_ =	task.clear_ibuf [dreg:s9], $0x8FFFF;
	_ =	strace $0x90000046  }
0xb7: {  	s29 =	simm.s32 $0x9;
	_ =	strace $0x80000048  }
0xb8: {  	_ =	swait.ge [sflag:s29], $0x1  }
0xb9: {  	[sflag:s29] =	ssyncadd.s32 $0xFFFFFFFF  }
0xba: {  	_ =	strace $0x90000048  }
0xbb: {  	_ =	sfence  }
0xbc: {  	s30 =	sld [smem:$0x0];
	_ =	sdelay $0x2  }
0xbd: {  	s31 =	sshll.u32 s1, $0xD;
	s1 =	sshrl.u32 s1, $0x2  }
0xbe: {  	s3 =	sand.u32 $0x4000, s31;
	s1 =	sadd.s32 s1, s30  }
0xbf: {  	s0 =	sor.u32 s3, s0;
	s1 =	sshll.u32 s1, $0x11  }
0xc0: {  	s0 =	sor.u32 s1, s0  }
0xc1: {  	s0 =	sadd.s32 $0x8F2B, s0  }
0xc2: {  	[sflag:s0] =	ssyncadd.remote.s32 $0x1  }
0xc3: {  	_ =	sfence.sel $0xFFFF  }
0xc4: {  	[dreg:$0x0] =	wrdreg $0xFFFFFFFF;
	(pc) =	sbr.abs _section_cstart, $3  }
0xc5: {  	[dreg:$0x1] =	wrdreg $0xFFFFFFFF  }
0xc6: {  	_ =	task.clear_ibuf [dreg:s9], $0x2FFFF;
	_ =	strace $0x9FFFFFFF  }
0xc7: {  	(tm) =	ssettm $0x7FFFFFFF  }
tec
execute0_lowered:
.L_overlay_start_1:
0x0: {  	(tag) =	ssettag $0x1  }
0x1: {  	s4 =	rddreg [dreg:$0x0]  }
0x2: {  	s2 =	rddreg [dreg:$0x1]  }
0x3: {  	s7 =	rddreg [dreg:$0x2]  }
0x4: {  	s30 =	rddreg [dreg:$0x3]  }
0x5: {  	s5 =	rddreg [dreg:$0x4]  }
0x6: {  	s0 =	srdreg.scid;
	s1 =	stileid.u32  }
0x7: {  	s3 =	simm.s32 $0x0;
	s12 =	simm.s32 $0xB;
	s0 =	sand.u32 $0x1, s0  }
0x8: {  	s6 =	sshll.u32 s1, $0x7;
	[smem:$0x7FF] =	sst s3;
	s8 =	sshll.u32 s0, $0x6  }
0x9: {  	s4 =	sadd.s32 $0x400, s4;
	s20 =	sshll.u32 s1, $0xD;
	s6 =	sor.u32 s8, s6  }
0xa: {  	s22 =	sshll.u32 s1, $0x6;
	s8 =	sshrl.u32 s6, $0x3;
	s25 =	sor.u32 $0x800, s6  }
0xb: {  	_ =	strace $0x80000047;
	s8 =	sadd.s32 s4, s8;
	s9 =	sshrl.u32 s25, $0x3  }
0xc: {  	s28 =	sor.u32 $0x1000, s6;
	[dreg:$0x6] =	wrdreg s8;
	s17 =	sadd.s32 s4, s9  }
0xd: {  	s5 =	sadd.s32 s20, s5;
	s18 =	sshrl.u32 s28, $0x3;
	[dreg:$0x7] =	wrdreg s17  }
0xe: {  	s13 =	sor.u32 $0x1C0B, s22;
	s8 =	sadd.s32 s4, s18;
	s10 =	rddreg [dreg:$0x6]  }
0xf: {  	s11 =	sshrl.u32 s5, $0x3;
	s31 =	sor.u32 $0x1800, s6;
	[dreg:$0x8] =	wrdreg s8  }
0x10: {  	[tilespmem:s3], [sflag:$0x1] =	stream.linear.gather [hbm4b:s10+s3], $0x40, $0x38;
	[tilespmem:$0xA100] =	vst v63  }
0x11: {  	s23 =	sshll.u32 s6, $0x4;
	s6 =	simm.s32 $0x40;
	s21 =	rddreg [dreg:$0x7]  }
0x12: {  	[tilespmem:s6], [sflag:$0x1] =	stream.linear.gather [hbm4b:s21+s3], $0x40, $0x38;
	[tilespmem:$0xA100] =	vst v63  }
0x13: {  	s19 =	sshrl.u32 s31, $0x3;
	s24 =	rddreg [dreg:$0x8];
	s21 =	simm.s32 $0x80  }
0x14: {  	[tilespmem:s21], [sflag:$0x1] =	stream.linear.gather [hbm4b:s24+s3], $0x40, $0x38;
	[tilespmem:$0xA100] =	vst v63  }
0x15: {  	s26 =	sadd.s32 s7, s23;
	s4 =	sadd.s32 s4, s19;
	s10 =	simm.s32 $0xC0  }
0x16: {  	[tilespmem:s10], [sflag:$0x1] =	stream.linear.gather [hbm4b:s4+s3], $0x40, $0x38;
	[tilespmem:$0xA100] =	vst v63  }
0x17: {  	[spmem:s11], [sflag:s13] =	dma.local [hbm:s26], $0x400  }
0x18: {  	_ =	swait.ge [sflag:s12], $0x400  }
0x19: {  	[sflag:s12] =	ssyncset.done $0x0  }
0x1a: {  	s9 =	smov.u32 s13;
	s13 =	simm.s32 $0x100;
	[sflag:s12] =	ssyncadd.s32 $0xFFFFFC00  }
0x1b: {  	[tilespmem:s13], [sflag:$0x2] =	stream.linear.gather [spmem:s5], $0x2000, $0x38;
	[tilespmem:$0xA100] =	vst v63  }
0x1c: {  	s14 =	simm.s32 $0x2100  }
0x1d: {  	[tilespmem:s14], [sflag:$0x3] =	stream.linear.gather [spmem:s5], $0x2000, $0x38;
	[tilespmem:$0xA100] =	vst v63  }
0x1e: {  	s15 =	simm.s32 $0x4100  }
0x1f: {  	[tilespmem:s15], [sflag:$0x4] =	stream.linear.gather [spmem:s5], $0x2000, $0x38;
	[tilespmem:$0xA100] =	vst v63  }
0x20: {  	s16 =	simm.s32 $0x6100;
	s17 =	simm.s32 $0x1  }
0x21: {  	[tilespmem:s16], [sflag:$0x5] =	stream.linear.gather [spmem:s5], $0x2000, $0x38;
	[tilespmem:$0xA100] =	vst v63  }
0x22: {  	_ =	swait.ge [sflag:s17], $0x40  }
0x23: {  	[sflag:s17] =	ssyncset.done $0x0  }
0x24: {  	[sflag:s17] =	ssyncadd.s32 $0xFFFFFFC0  }
0x25: {  	_ =	swait.ge [sflag:s17], $0x40  }
0x26: {  	[sflag:s17] =	ssyncset.done $0x0  }
0x27: {  	[sflag:s17] =	ssyncadd.s32 $0xFFFFFFC0  }
0x28: {  	_ =	swait.ge [sflag:s17], $0x40  }
0x29: {  	[sflag:s17] =	ssyncset.done $0x0  }
0x2a: {  	[sflag:s17] =	ssyncadd.s32 $0xFFFFFFC0  }
0x2b: {  	_ =	swait.ge [sflag:s17], $0x40  }
0x2c: {  	[sflag:s17] =	ssyncset.done $0x0  }
0x2d: {  	s18 =	simm.s32 $0x2;
	[sflag:s17] =	ssyncadd.s32 $0xFFFFFFC0  }
0x2e: {  	_ =	swait.ge [sflag:s18], $0x2000  }
0x2f: {  	[sflag:s18] =	ssyncset.done $0x0  }
0x30: {  	s19 =	simm.s32 $0x3;
	[sflag:s18] =	ssyncadd.s32 $0xFFFFE000  }
0x31: {  	[tilespmem:s13], [sflag:$0x6] =	stream.indirect.gather.add.f32 [hbm:s2], $0x80, s3, s6, $0xb8;
	[tilespmem:$0xA100] =	vst v63  }
0x32: {  	_ =	swait.ge [sflag:s19], $0x2000  }
0x33: {  	[sflag:s19] =	ssyncset.done $0x0  }
0x34: {  	s20 =	simm.s32 $0x4;
	[sflag:s19] =	ssyncadd.s32 $0xFFFFE000  }
0x35: {  	[tilespmem:s14], [sflag:$0x7] =	stream.indirect.gather.add.f32 [hbm:s2], $0x80, s6, s6, $0xb8;
	[tilespmem:$0xA100] =	vst v63  }
0x36: {  	_ =	swait.ge [sflag:s20], $0x2000  }
0x37: {  	[sflag:s20] =	ssyncset.done $0x0  }
0x38: {  	[sflag:s20] =	ssyncadd.s32 $0xFFFFE000  }
0x39: {  	[tilespmem:s15], [sflag:$0x8] =	stream.indirect.gather.add.f32 [hbm:s2], $0x80, s21, s6, $0xb8;
	[tilespmem:$0xA100] =	vst v63  }
0x3a: {  	s21 =	simm.s32 $0x5  }
0x3b: {  	_ =	swait.ge [sflag:s21], $0x2000  }
0x3c: {  	[sflag:s21] =	ssyncset.done $0x0  }
0x3d: {  	s22 =	simm.s32 $0x6;
	[sflag:s21] =	ssyncadd.s32 $0xFFFFE000  }
0x3e: {  	[tilespmem:s16], [sflag:$0x9] =	stream.indirect.gather.add.f32 [hbm:s2], $0x80, s10, s6, $0xb8;
	[tilespmem:$0xA100] =	vst v63  }
0x3f: {  	_ =	swait.ge [sflag:s22], $0x2000  }
0x40: {  	[sflag:s22] =	ssyncset.done $0x0  }
0x41: {  	s23 =	sadd.s32 s30, s23;
	s24 =	simm.s32 $0x7;
	[sflag:s22] =	ssyncadd.s32 $0xFFFFE000  }
0x42: {  	[hbm4b:s23+s3] =	stream.linear.scatter [tilespmem:s13], [sflag:$0xA], $0x2000, $0x38;
	[tilespmem:$0xA100] =	vst v63  }
0x43: {  	s25 =	sshll.u32 s25, $0x4;
	_ =	swait.ge [sflag:s24], $0x2000  }
0x44: {  	s25 =	sadd.s32 s30, s25;
	[sflag:s24] =	ssyncset.done $0x0  }
0x45: {  	s8 =	smov.u32 s26;
	s26 =	simm.s32 $0x8;
	[sflag:s24] =	ssyncadd.s32 $0xFFFFE000  }
0x46: {  	[hbm4b:s25+s3] =	stream.linear.scatter [tilespmem:s14], [sflag:$0xA], $0x2000, $0x38;
	[tilespmem:$0xA100] =	vst v63  }
0x47: {  	_ =	swait.ge [sflag:s26], $0x2000  }
0x48: {  	s28 =	sshll.u32 s28, $0x4;
	[sflag:s26] =	ssyncset.done $0x0  }
0x49: {  	s29 =	simm.s32 $0x9;
	s28 =	sadd.s32 s30, s28;
	[sflag:s26] =	ssyncadd.s32 $0xFFFFE000  }
0x4a: {  	[hbm4b:s28+s3] =	stream.linear.scatter [tilespmem:s15], [sflag:$0xA], $0x2000, $0x38;
	[tilespmem:$0xA100] =	vst v63  }
0x4b: {  	_ =	swait.ge [sflag:s29], $0x2000  }
0x4c: {  	s31 =	sshll.u32 s31, $0x4;
	[sflag:s29] =	ssyncset.done $0x0  }
0x4d: {  	s30 =	sadd.s32 s30, s31;
	s31 =	simm.s32 $0xA;
	[sflag:s29] =	ssyncadd.s32 $0xFFFFE000  }
0x4e: {  	[hbm4b:s30+s3] =	stream.linear.scatter [tilespmem:s16], [sflag:$0xA], $0x2000, $0x38;
	[tilespmem:$0xA100] =	vst v63  }
0x4f: {  	s0 =	ssub.s32 $0x2, s0;
	_ =	swait.ge [sflag:s31], $0x2000  }
0x50: {  	s7 =	sshrl.u32 s0, $0x1;
	[sflag:s31] =	ssyncset.done $0x0  }
0x51: {  	s0 =	ssub.s32 s0, s7;
	[sflag:s31] =	ssyncadd.s32 $0xFFFFE000  }
0x52: {  	s0 =	smax.u32 s0, $0x1;
	_ =	swait.ge [sflag:s31], $0x2000  }
0x53: {  	p0 =	sne.s32 s0, $0x1;
	[sflag:s31] =	ssyncset.done $0x0  }
.Ltmp0:
0x54: {  	[sflag:s31] =	ssyncadd.s32 $0xFFFFE000;
	(pc) =	sbr.rel @!p0 .LBB2_3-.Ltmp0, $4  }
0x55: {  	_ =	swait.ge [sflag:s31], $0x2000  }
0x56: {  	[sflag:s31] =	ssyncset.done $0x0  }
0x57: {  	[sflag:s31] =	ssyncadd.s32 $0xFFFFE000  }
0x58: {  	s0 =	sadd.s32 $0xFFFFFFFF, s0;
	_ =	swait.ge [sflag:s31], $0x2000  }
0x59: {  	s7 =	smov.u32 s4  }
.LBB2_2:
0x5a: {  	[sflag:s31] =	ssyncset.done $0x0  }
0x5b: {  	s1 =	rddreg [dreg:$0x6];
	[sflag:s31] =	ssyncadd.s32 $0xFFFFE000  }
0x5c: {  	[tilespmem:s3], [sflag:$0x1] =	stream.linear.gather [hbm4b:s1+s3], $0x40, $0x38;
	[tilespmem:$0xA100] =	vst v63  }
0x5d: {  	s4 =	rddreg [dreg:$0x7]  }
0x5e: {  	[tilespmem:s6], [sflag:$0x1] =	stream.linear.gather [hbm4b:s4+s3], $0x40, $0x38;
	[tilespmem:$0xA100] =	vst v63  }
0x5f: {  	s1 =	rddreg [dreg:$0x8];
	s4 =	simm.s32 $0x80  }
0x60: {  	[tilespmem:s4], [sflag:$0x1] =	stream.linear.gather [hbm4b:s1+s3], $0x40, $0x38;
	[tilespmem:$0xA100] =	vst v63  }
0x61: {  	_ = 	snop  }
0x62: {  	[tilespmem:s10], [sflag:$0x1] =	stream.linear.gather [hbm4b:s7+s3], $0x40, $0x38;
	[tilespmem:$0xA100] =	vst v63  }
0x63: {  	[spmem:s11], [sflag:s9] =	dma.local [hbm:s8], $0x400  }
0x64: {  	_ =	swait.ge [sflag:s12], $0x400  }
0x65: {  	[sflag:s12] =	ssyncset.done $0x0  }
0x66: {  	[sflag:s12] =	ssyncadd.s32 $0xFFFFFC00  }
0x67: {  	[tilespmem:s13], [sflag:$0x2] =	stream.linear.gather [spmem:s5], $0x2000, $0x38;
	[tilespmem:$0xA100] =	vst v63  }
0x68: {  	_ = 	snop  }
0x69: {  	[tilespmem:s14], [sflag:$0x3] =	stream.linear.gather [spmem:s5], $0x2000, $0x38;
	[tilespmem:$0xA100] =	vst v63  }
0x6a: {  	_ = 	snop  }
0x6b: {  	[tilespmem:s15], [sflag:$0x4] =	stream.linear.gather [spmem:s5], $0x2000, $0x38;
	[tilespmem:$0xA100] =	vst v63  }
0x6c: {  	_ = 	snop  }
0x6d: {  	[tilespmem:s16], [sflag:$0x5] =	stream.linear.gather [spmem:s5], $0x2000, $0x38;
	[tilespmem:$0xA100] =	vst v63  }
0x6e: {  	_ =	swait.ge [sflag:s17], $0x40  }
0x6f: {  	[sflag:s17] =	ssyncset.done $0x0  }
0x70: {  	[sflag:s17] =	ssyncadd.s32 $0xFFFFFFC0  }
0x71: {  	_ =	swait.ge [sflag:s17], $0x40  }
0x72: {  	[sflag:s17] =	ssyncset.done $0x0  }
0x73: {  	[sflag:s17] =	ssyncadd.s32 $0xFFFFFFC0  }
0x74: {  	_ =	swait.ge [sflag:s17], $0x40  }
0x75: {  	[sflag:s17] =	ssyncset.done $0x0  }
0x76: {  	[sflag:s17] =	ssyncadd.s32 $0xFFFFFFC0  }
0x77: {  	_ =	swait.ge [sflag:s17], $0x40  }
0x78: {  	[sflag:s17] =	ssyncset.done $0x0  }
0x79: {  	[sflag:s17] =	ssyncadd.s32 $0xFFFFFFC0  }
0x7a: {  	_ =	swait.ge [sflag:s18], $0x2000  }
0x7b: {  	[sflag:s18] =	ssyncset.done $0x0  }
0x7c: {  	[sflag:s18] =	ssyncadd.s32 $0xFFFFE000  }
0x7d: {  	[tilespmem:s13], [sflag:$0x6] =	stream.indirect.gather.add.f32 [hbm:s2], $0x80, s3, s6, $0xb8;
	[tilespmem:$0xA100] =	vst v63  }
0x7e: {  	_ =	swait.ge [sflag:s19], $0x2000  }
0x7f: {  	[sflag:s19] =	ssyncset.done $0x0  }
0x80: {  	[sflag:s19] =	ssyncadd.s32 $0xFFFFE000  }
0x81: {  	[tilespmem:s14], [sflag:$0x7] =	stream.indirect.gather.add.f32 [hbm:s2], $0x80, s6, s6, $0xb8;
	[tilespmem:$0xA100] =	vst v63  }
0x82: {  	_ =	swait.ge [sflag:s20], $0x2000  }
0x83: {  	[sflag:s20] =	ssyncset.done $0x0  }
0x84: {  	[sflag:s20] =	ssyncadd.s32 $0xFFFFE000  }
0x85: {  	[tilespmem:s15], [sflag:$0x8] =	stream.indirect.gather.add.f32 [hbm:s2], $0x80, s4, s6, $0xb8;
	[tilespmem:$0xA100] =	vst v63  }
0x86: {  	_ =	swait.ge [sflag:s21], $0x2000  }
0x87: {  	[sflag:s21] =	ssyncset.done $0x0  }
0x88: {  	[sflag:s21] =	ssyncadd.s32 $0xFFFFE000  }
0x89: {  	[tilespmem:s16], [sflag:$0x9] =	stream.indirect.gather.add.f32 [hbm:s2], $0x80, s10, s6, $0xb8;
	[tilespmem:$0xA100] =	vst v63  }
0x8a: {  	_ =	swait.ge [sflag:s22], $0x2000  }
0x8b: {  	[sflag:s22] =	ssyncset.done $0x0  }
0x8c: {  	[sflag:s22] =	ssyncadd.s32 $0xFFFFE000  }
0x8d: {  	[hbm4b:s23+s3] =	stream.linear.scatter [tilespmem:s13], [sflag:$0xA], $0x2000, $0x38;
	[tilespmem:$0xA100] =	vst v63  }
0x8e: {  	_ =	swait.ge [sflag:s24], $0x2000  }
0x8f: {  	[sflag:s24] =	ssyncset.done $0x0  }
0x90: {  	[sflag:s24] =	ssyncadd.s32 $0xFFFFE000  }
0x91: {  	[hbm4b:s25+s3] =	stream.linear.scatter [tilespmem:s14], [sflag:$0xA], $0x2000, $0x38;
	[tilespmem:$0xA100] =	vst v63  }
0x92: {  	_ =	swait.ge [sflag:s26], $0x2000  }
0x93: {  	[sflag:s26] =	ssyncset.done $0x0  }
0x94: {  	[sflag:s26] =	ssyncadd.s32 $0xFFFFE000  }
0x95: {  	[hbm4b:s28+s3] =	stream.linear.scatter [tilespmem:s15], [sflag:$0xA], $0x2000, $0x38;
	[tilespmem:$0xA100] =	vst v63  }
0x96: {  	_ =	swait.ge [sflag:s29], $0x2000  }
0x97: {  	[sflag:s29] =	ssyncset.done $0x0  }
0x98: {  	[sflag:s29] =	ssyncadd.s32 $0xFFFFE000  }
0x99: {  	[hbm4b:s30+s3] =	stream.linear.scatter [tilespmem:s16], [sflag:$0xA], $0x2000, $0x38;
	[tilespmem:$0xA100] =	vst v63  }
0x9a: {  	_ =	swait.ge [sflag:s31], $0x2000  }
0x9b: {  	[sflag:s31] =	ssyncset.done $0x0  }
0x9c: {  	[sflag:s31] =	ssyncadd.s32 $0xFFFFE000  }
0x9d: {  	_ =	swait.ge [sflag:s31], $0x2000  }
0x9e: {  	p0 =	sne.s32 s0, $0x1;
	[sflag:s31] =	ssyncset.done $0x0  }
.Ltmp1:
0x9f: {  	[sflag:s31] =	ssyncadd.s32 $0xFFFFE000;
	(pc) =	sbr.rel @p0 .LBB2_2-.Ltmp1, $4  }
0xa0: {  	_ =	swait.ge [sflag:s31], $0x2000  }
0xa1: {  	[sflag:s31] =	ssyncset.done $0x0  }
0xa2: {  	[sflag:s31] =	ssyncadd.s32 $0xFFFFE000  }
0xa3: {  	s0 =	sadd.s32 $0xFFFFFFFF, s0;
	_ =	swait.ge [sflag:s31], $0x2000  }
.LBB2_3:
0xa4: {  	[sflag:s31] =	ssyncset.done $0x0  }
0xa5: {  	[sflag:s31] =	ssyncadd.s32 $0xFFFFE000  }
0xa6: {  	_ =	sfence.sel $0x180000  }
0xa7: {  	[bflag:$0x0] =	sbarrier.arrive $0xFFFF  }
0xa8: {  	_ =	strace $0x90000047  }
0xa9: {  	s0 =	stileid.u32;
	[bflag:$0x2] =	sbarrier.arrive $0xFFFF  }
0xaa: {  	p0 =	sne.s32 s0, $0x0;
	s0 =	rddreg [dreg:$0x5]  }
0xab: {  	s0 =	sadd.s32 @!p0 $0x100000, s0  }
0xac: {  	[sflag:s0] =	ssyncadd.tile.s32 @!p0 $0x1;
	_ =	shalt  }
.Lfunc_end2:
_tile_overlayer_lowered:
.L_overlay_start_2:
0xad: {  	(tag) =	ssettag $0x2  }
0xae: {  	s0 =	rddreg [dreg:$0x0];
	s2 =	stileid.u32  }
0xaf: {  	s1 =	rddreg [dreg:$0x1];
	p0 =	sne.s32 s2, $0x0  }
0xb0: {  	s3 =	rddreg [dreg:$0x2];
	[bflag:$0x3] =	sbarrier.arrive $0xFFFF;
	s2 =	simm.s32 @!p0 $0x1C0B  }
0xb1: {  	[timem:s3], [sflag:s2] =	dma.local @!p0 [hbm:s0], s1  }
0xb2: {  	s0 =	simm.s32 @!p0 $0xB  }
0xb3: {  	_ =	swait.ge @!p0 [sflag:s0], s1  }
0xb4: {  	s1 =	ssub.s32 @!p0 $0x0, s1;
	[sflag:s0] =	ssyncset.done @!p0 $0x0  }
0xb5: {  	[sflag:s0] =	ssyncadd.s32 @!p0 s1  }
0xb6: {  	[bflag:$0x3] =	sbarrier.arrive $0xFFFF  }
0xb7: {  	_ =	shalt  }

</sc_bundles>
